<compile_context>
chip_gen: v7x
topology: tpu7x:2x2x1
jax: 0.10.2.dev20260603
libtpu: 0.0.44.dev20260713+nightly
codegen_flags: <defaults>
</compile_context>

<pallas_src>
import functools

import jax
import jax.numpy as jnp
from jax import lax
from jax.experimental import pallas as pl
from jax.experimental.pallas import tpu as pltpu
from jax.experimental.pallas import tpu_sc as plsc

E = 64
IN = 768
HID = 1536
OUT = 768
NB = 8
R = 8
ALPHA = 16.0
K = 2
N = 2048
SCALING = ALPHA / R

BT = 128
MAXB = N * K // BT + E
P = MAXB * BT

NEG = -3.0e38

NC = 2
NS = 16
NW = NC * NS


def _gating_kernel(x_ref, wg_ref, xp_ref, d0_ref, d1_ref, g1_ref, g2_ref,
                   be_ref, nb_ref, loss_ref):
    x = x_ref[...]

    au = lax.bitcast_convert_type(
        x[:, :_PW].astype(jnp.bfloat16), jnp.uint16).astype(jnp.uint32)
    bu = lax.bitcast_convert_type(
        x[:, _PW:].astype(jnp.bfloat16), jnp.uint16).astype(jnp.uint32)
    xp_ref[...] = lax.bitcast_convert_type(au | (bu << 16), jnp.float32)
    logits = jnp.dot(x, wg_ref[...], preferred_element_type=jnp.float32)
    iota = lax.broadcasted_iota(jnp.int32, (N, E), 1)
    m1 = jnp.max(logits, axis=1, keepdims=True)
    idx1 = jnp.min(jnp.where(logits == m1, iota, E), axis=1, keepdims=True)
    sel1 = iota == idx1
    l2 = jnp.where(sel1, NEG, logits)
    m2 = jnp.max(l2, axis=1, keepdims=True)
    idx2 = jnp.min(jnp.where(l2 == m2, iota, E), axis=1, keepdims=True)
    sel2 = iota == idx2
    ed = jnp.exp(m2 - m1)
    g1 = 1.0 / (1.0 + ed)
    g2 = ed / (1.0 + ed)

    g1_ref[...] = g1
    g2_ref[...] = g2

    oh1 = sel1.astype(jnp.float32)
    oh2 = sel2.astype(jnp.float32)

    ri = lax.broadcasted_iota(jnp.int32, (N, N), 0)
    ci = lax.broadcasted_iota(jnp.int32, (N, N), 1)
    lt = (ci < ri).astype(jnp.float32)
    oh = jnp.concatenate([oh1, oh2], axis=1)
    prefix = jnp.dot(lt, oh, preferred_element_type=jnp.float32)
    p1 = prefix[:, :E]
    p2 = prefix[:, E:]
    c1 = jnp.sum(oh1, axis=0, keepdims=True)
    rank0 = jnp.sum(jnp.where(sel1, p1, 0.0), axis=1, keepdims=True)
    rank1 = jnp.sum(jnp.where(sel2, c1 + p2, 0.0), axis=1, keepdims=True)
    counts = c1 + jnp.sum(oh2, axis=0, keepdims=True)

    nb = jnp.floor((counts + (BT - 1)) * (1.0 / BT))
    ei = lax.broadcasted_iota(jnp.int32, (E, E), 0)
    ej = lax.broadcasted_iota(jnp.int32, (E, E), 1)
    ends = jnp.dot(nb, (ei <= ej).astype(jnp.float32),
                   preferred_element_type=jnp.float32)
    pad_off = (ends - nb) * BT

    d0 = jnp.sum(jnp.where(sel1, pad_off, 0.0), axis=1, keepdims=True) + rank0
    d1 = jnp.sum(jnp.where(sel2, pad_off, 0.0), axis=1, keepdims=True) + rank1
    d0_ref[...] = d0.astype(jnp.int32)
    d1_ref[...] = d1.astype(jnp.int32)

    bj = lax.broadcasted_iota(jnp.int32, (MAXB, 1), 0).astype(jnp.float32)
    total = jnp.sum(nb)
    be_raw = jnp.sum((jnp.broadcast_to(ends, (MAXB, E)) <= bj)
                     .astype(jnp.float32), axis=1, keepdims=True)
    be_last = jnp.sum(jnp.where(bj == total - 1.0, be_raw, 0.0))
    be = jnp.where(bj < total, be_raw, be_last)
    be_ref[...] = be.astype(jnp.int32)
    nb_ref[0, 0] = total.astype(jnp.int32)

    gates = jnp.where(sel1, g1, 0.0) + jnp.where(sel2, g2, 0.0)
    importance = jnp.sum(gates, axis=0)
    load = jnp.sum((gates > 0).astype(jnp.float32), axis=0)

    def cv_sq(v):
        mean = jnp.mean(v)
        var = jnp.sum((v - mean) ** 2) / (E - 1)
        return var / (mean * mean + 1e-10)

    loss_ref[0, 0] = (cv_sq(importance) + cv_sq(load)) * 0.01


def _gmm_kernel(be_ref, nb_ref, xd_ref, bv_ref, gv_ref,
                w1_ref, b1_ref, w2_ref, b2_ref,
                a1_ref, bb1_ref, a2_ref, bb2_ref, out_ref):
    @pl.when(pl.program_id(0) < nb_ref[0])
    def _():
        u = lax.bitcast_convert_type(xd_ref[...], jnp.uint32)
        xa = lax.bitcast_convert_type(u << 16, jnp.float32)
        xb = lax.bitcast_convert_type((u >> 16) << 16, jnp.float32)
        x = jnp.concatenate([xa, xb], axis=1)
        bands = bv_ref[0]
        iota_nbr = lax.broadcasted_iota(jnp.int32, (BT, NB * R), 1)
        mask = (lax.div(iota_nbr, R) == bands).astype(jnp.float32)

        lh = jnp.dot(x, a1_ref[0], preferred_element_type=jnp.float32) * mask
        lh = jnp.dot(lh, bb1_ref[0], preferred_element_type=jnp.float32)
        h = jnp.dot(x, w1_ref[0], preferred_element_type=jnp.float32)
        h = h + b1_ref[0] + lh * SCALING
        h = h * 0.5 * (1.0 + lax.erf(h * 0.7071067811865476))

        lo = jnp.dot(h, a2_ref[0], preferred_element_type=jnp.float32) * mask
        lo = jnp.dot(lo, bb2_ref[0], preferred_element_type=jnp.float32)
        out = jnp.dot(h, w2_ref[0], preferred_element_type=jnp.float32)
        out = out + b2_ref[0] + lo * SCALING
        out_ref[...] = out * gv_ref[0]


_PW = IN // 2
_TPW = N // NW


@functools.lru_cache(maxsize=None)
def _build_sc_dispatch():
    @functools.partial(
        pl.kernel,
        mesh=plsc.VectorSubcoreMesh(core_axis_name="c", subcore_axis_name="s"),
        out_type=(
            jax.ShapeDtypeStruct((P, _PW), jnp.float32),
            jax.ShapeDtypeStruct((P,), jnp.float32),
            jax.ShapeDtypeStruct((P,), jnp.int32),
        ),
        scratch_types=[
            pltpu.VMEM((_TPW,), jnp.int32),
            pltpu.VMEM((_TPW,), jnp.int32),
            pltpu.VMEM((_TPW, _PW), jnp.float32),
            pltpu.VMEM((_TPW,), jnp.float32),
            pltpu.VMEM((_TPW,), jnp.float32),
            pltpu.VMEM((_TPW,), jnp.int32),
        ] + [pltpu.SemaphoreType.DMA] * 6,
    )
    def k(x_hbm, d0_hbm, d1_hbm, g1_hbm, g2_hbm, bd_hbm,
          xd_hbm, gv_hbm, bv_hbm,
          i0_v, i1_v, rows_v, g1_v, g2_v, bd_v, *sems):
        wid = lax.axis_index("s") * NC + lax.axis_index("c")
        base = wid * _TPW
        pltpu.sync_copy(d0_hbm.at[pl.ds(base, _TPW)], i0_v)
        pltpu.sync_copy(d1_hbm.at[pl.ds(base, _TPW)], i1_v)
        pltpu.sync_copy(x_hbm.at[pl.ds(base, _TPW)], rows_v)
        pltpu.sync_copy(g1_hbm.at[pl.ds(base, _TPW)], g1_v)
        pltpu.sync_copy(g2_hbm.at[pl.ds(base, _TPW)], g2_v)
        pltpu.sync_copy(bd_hbm.at[pl.ds(base, _TPW)], bd_v)
        copies = [
            pltpu.async_copy(rows_v, xd_hbm.at[i0_v], sems[0]),
            pltpu.async_copy(rows_v, xd_hbm.at[i1_v], sems[1]),
            pltpu.async_copy(g1_v, gv_hbm.at[i0_v], sems[2]),
            pltpu.async_copy(g2_v, gv_hbm.at[i1_v], sems[3]),
            pltpu.async_copy(bd_v, bv_hbm.at[i0_v], sems[4]),
            pltpu.async_copy(bd_v, bv_hbm.at[i1_v], sems[5]),
        ]
        for c in copies:
            c.wait()
    return k


@functools.lru_cache(maxsize=None)
def _build_sc_combine():
    @functools.partial(
        pl.kernel,
        mesh=plsc.VectorSubcoreMesh(core_axis_name="c", subcore_axis_name="s"),
        out_type=jax.ShapeDtypeStruct((N, OUT), jnp.float32),
        scratch_types=[
            pltpu.VMEM((_TPW,), jnp.int32),
            pltpu.VMEM((_TPW,), jnp.int32),
            pltpu.VMEM((_TPW, OUT), jnp.float32),
            pltpu.VMEM((_TPW, OUT), jnp.float32),
            pltpu.SemaphoreType.DMA,
        ],
    )
    def k(outw_hbm, d0_hbm, d1_hbm, y_hbm, i0_v, i1_v, r0_v, r1_v, sem):
        wid = lax.axis_index("s") * NC + lax.axis_index("c")
        base = wid * _TPW
        pltpu.sync_copy(d0_hbm.at[pl.ds(base, _TPW)], i0_v)
        pltpu.sync_copy(d1_hbm.at[pl.ds(base, _TPW)], i1_v)
        pltpu.async_copy(outw_hbm.at[i0_v], r0_v, sem).wait()
        pltpu.async_copy(outw_hbm.at[i1_v], r1_v, sem).wait()

        def body(t, _):
            def cbody(j, _):
                cs = pl.ds(j * 16, 16)
                r0_v[t, cs] = r0_v[t, cs] + r1_v[t, cs]
                return 0
            return lax.fori_loop(0, OUT // 16, cbody, 0)

        lax.fori_loop(0, _TPW, body, 0)
        pltpu.sync_copy(r0_v, y_hbm.at[pl.ds(base, _TPW)])
    return k


def _sc_dispatch(x, dest0, dest1, g1, g2, bands):
    return _build_sc_dispatch()(x, dest0, dest1, g1, g2, bands)


def _sc_combine(outw, dest0, dest1):
    return _build_sc_combine()(outw, dest0, dest1)


def kernel(x, band_indices, w_gate, fc1_W, fc1_b, fc2_W, fc2_b,
           lora1_A, lora1_B, lora2_A, lora2_B):
    x_pack, d0, d1, g1, g2, be, nb_tot, loss = pl.pallas_call(
        _gating_kernel,
        out_shape=(
            jax.ShapeDtypeStruct((N, _PW), jnp.float32),
            jax.ShapeDtypeStruct((N, 1), jnp.int32),
            jax.ShapeDtypeStruct((N, 1), jnp.int32),
            jax.ShapeDtypeStruct((N, 1), jnp.float32),
            jax.ShapeDtypeStruct((N, 1), jnp.float32),
            jax.ShapeDtypeStruct((MAXB, 1), jnp.int32),
            jax.ShapeDtypeStruct((1, 1), jnp.int32),
            jax.ShapeDtypeStruct((1, 1), jnp.float32),
        ),
        in_specs=[
            pl.BlockSpec((N, IN), lambda: (0, 0)),
            pl.BlockSpec((IN, E), lambda: (0, 0)),
        ],
        out_specs=(
            pl.BlockSpec((N, _PW), lambda: (0, 0)),
            pl.BlockSpec((N, 1), lambda: (0, 0)),
            pl.BlockSpec((N, 1), lambda: (0, 0)),
            pl.BlockSpec((N, 1), lambda: (0, 0)),
            pl.BlockSpec((N, 1), lambda: (0, 0)),
            pl.BlockSpec((MAXB, 1), lambda: (0, 0)),
            pl.BlockSpec(memory_space=pltpu.SMEM),
            pl.BlockSpec(memory_space=pltpu.SMEM),
        ),
    )(x, w_gate)

    dest0 = d0.reshape(N)
    dest1 = d1.reshape(N)
    block_expert = be.reshape(MAXB)
    total_blocks = nb_tot.reshape(1)
    bands = band_indices.astype(jnp.int32)

    xd, gv, bv = _sc_dispatch(x_pack, dest0, dest1,
                              g1.reshape(N), g2.reshape(N), bands)

    a1f = lora1_A.transpose(0, 2, 1, 3).reshape(E, IN, NB * R)
    bb1f = lora1_B.reshape(E, NB * R, HID)
    a2f = lora2_A.transpose(0, 2, 1, 3).reshape(E, HID, NB * R)
    bb2f = lora2_B.reshape(E, NB * R, OUT)
    b1_3d = fc1_b.reshape(E, 1, HID)
    b2_3d = fc2_b.reshape(E, 1, OUT)
    bv3 = bv.reshape(MAXB, BT, 1)
    gv3 = gv.reshape(MAXB, BT, 1)

    grid_spec = pltpu.PrefetchScalarGridSpec(
        num_scalar_prefetch=2,
        grid=(MAXB,),
        in_specs=[
            pl.BlockSpec((BT, _PW), lambda i, be, nb: (i, 0)),
            pl.BlockSpec((1, BT, 1), lambda i, be, nb: (i, 0, 0)),
            pl.BlockSpec((1, BT, 1), lambda i, be, nb: (i, 0, 0)),
            pl.BlockSpec((1, IN, HID), lambda i, be, nb: (be[i], 0, 0)),
            pl.BlockSpec((1, 1, HID), lambda i, be, nb: (be[i], 0, 0)),
            pl.BlockSpec((1, HID, OUT), lambda i, be, nb: (be[i], 0, 0)),
            pl.BlockSpec((1, 1, OUT), lambda i, be, nb: (be[i], 0, 0)),
            pl.BlockSpec((1, IN, NB * R), lambda i, be, nb: (be[i], 0, 0)),
            pl.BlockSpec((1, NB * R, HID), lambda i, be, nb: (be[i], 0, 0)),
            pl.BlockSpec((1, HID, NB * R), lambda i, be, nb: (be[i], 0, 0)),
            pl.BlockSpec((1, NB * R, OUT), lambda i, be, nb: (be[i], 0, 0)),
        ],
        out_specs=pl.BlockSpec((BT, OUT), lambda i, be, nb: (i, 0)),
    )
    outw = pl.pallas_call(
        _gmm_kernel,
        grid_spec=grid_spec,
        out_shape=jax.ShapeDtypeStruct((P, OUT), jnp.float32),
    )(block_expert, total_blocks, xd, bv3, gv3, fc1_W, b1_3d,
      fc2_W, b2_3d, a1f, bb1f, a2f, bb2f)

    y = _sc_combine(outw, dest0, dest1)

    return y, loss[0, 0]

# --- scband reference (transcript-rebuilt; emitter-appended) ---
"""Pipeline reference for scband-mo-e-9423158247593 (READ-ONLY COPY).

The authoritative reference and input builder live on the scoring server;
editing this copy changes nothing except your own understanding.
"""

import jax, jax.numpy as jnp
import numpy as np

E = 64
IN = 768
HID = 1536
OUT = 768
NB = 8
R = 8
ALPHA = 16.0
K = 2
N = 2048
SCALING = ALPHA / R


def setup_inputs(seed: int = 0):
    key = jax.random.key(seed)
    ks = jax.random.split(key, 11)
    x = jax.random.normal(ks[0], (N, IN), dtype=jnp.float32)
    band_indices = jax.random.randint(ks[1], (N,), 0, NB)
    w_gate = jax.random.normal(ks[2], (IN, E), dtype=jnp.float32) * 0.02
    fc1_W = jax.random.normal(ks[3], (E, IN, HID), dtype=jnp.float32) * 0.02
    fc1_b = jnp.zeros((E, HID), dtype=jnp.float32)
    fc2_W = jax.random.normal(ks[4], (E, HID, OUT), dtype=jnp.float32) * 0.02
    fc2_b = jnp.zeros((E, OUT), dtype=jnp.float32)
    lora1_A = jax.random.normal(ks[5], (E, NB, IN, R), dtype=jnp.float32) * 0.02
    lora1_B = jax.random.normal(ks[6], (E, NB, R, HID), dtype=jnp.float32) * 0.02
    lora2_A = jax.random.normal(ks[7], (E, NB, HID, R), dtype=jnp.float32) * 0.02
    lora2_B = jax.random.normal(ks[8], (E, NB, R, OUT), dtype=jnp.float32) * 0.02
    return {"x": x, "band_indices": band_indices, "w_gate": w_gate,
            "fc1_W": fc1_W, "fc1_b": fc1_b, "fc2_W": fc2_W, "fc2_b": fc2_b,
            "lora1_A": lora1_A, "lora1_B": lora1_B, "lora2_A": lora2_A, "lora2_B": lora2_B}


def _cv_squared(v):
    v = v.astype(jnp.float32)
    return jnp.var(v, ddof=1) / (jnp.mean(v) ** 2 + 1e-10)


def reference(x, band_indices, w_gate, fc1_W, fc1_b, fc2_W, fc2_b,
              lora1_A, lora1_B, lora2_A, lora2_B):
    # noisy_gating=False -> clean top-k gating
    logits = x @ w_gate
    top_logits, top_idx = jax.lax.top_k(logits, K + 1)
    topk_logits = top_logits[:, :K]
    topk_idx = top_idx[:, :K]
    topk_gates = jax.nn.softmax(topk_logits, axis=1)
    gates = jnp.zeros_like(logits).at[jnp.arange(N)[:, None], topk_idx].set(topk_gates)
    importance = gates.sum(0)
    load = (gates > 0).sum(0)
    loss = (_cv_squared(importance) + _cv_squared(load)) * 0.01

    y = jnp.zeros((N, OUT), dtype=jnp.float32)
    for e in range(E):
        band_e = band_indices
        # SharedExpertMLP forward (band column is stripped, used only for LoRA selection)
        h_shared = x @ fc1_W[e] + fc1_b[e]
        lh = jnp.einsum('ni,nir->nr', x, lora1_A[e][band_e])
        lh = jnp.einsum('nr,nrh->nh', lh, lora1_B[e][band_e])
        h = jax.nn.gelu(h_shared + lh * SCALING, approximate=False)
        out_shared = h @ fc2_W[e] + fc2_b[e]
        lo = jnp.einsum('nh,nhr->nr', h, lora2_A[e][band_e])
        lo = jnp.einsum('nr,nro->no', lo, lora2_B[e][band_e])
        oe = out_shared + lo * SCALING
        y = y + oe * gates[:, e][:, None]
    return y, loss

if __name__ == "__main__":
    import jax
    _d = setup_inputs()
    print(jax.jit(kernel)(*tuple(_d.values())))

</pallas_src>

<mosaic_0001>
#map = affine_map<(d0, d1) -> (0, 0)>
#map1 = affine_map<(d0, d1) -> (0)>
module attributes {stable_mosaic.version = 14 : i64} {
  func.func @k(%arg0: i32, %arg1: i32, %arg2: memref<2048x384xf32, #tpu.memory_space<hbm>>, %arg3: memref<2048xi32, #tpu.memory_space<hbm>>, %arg4: memref<2048xi32, #tpu.memory_space<hbm>>, %arg5: memref<2048xf32, #tpu.memory_space<hbm>>, %arg6: memref<2048xf32, #tpu.memory_space<hbm>>, %arg7: memref<2048xi32, #tpu.memory_space<hbm>>, %arg8: memref<12288x384xf32, #tpu.memory_space<hbm>>, %arg9: memref<12288xf32, #tpu.memory_space<hbm>>, %arg10: memref<12288xi32, #tpu.memory_space<hbm>>, %arg11: memref<64xi32, #tpu.memory_space<vmem>>, %arg12: memref<64xi32, #tpu.memory_space<vmem>>, %arg13: memref<64x384xf32, #tpu.memory_space<vmem>>, %arg14: memref<64xf32, #tpu.memory_space<vmem>>, %arg15: memref<64xf32, #tpu.memory_space<vmem>>, %arg16: memref<64xi32, #tpu.memory_space<vmem>>, %arg17: memref<!tpu.dma_semaphore, #tpu.memory_space<semaphore_mem>>, %arg18: memref<!tpu.dma_semaphore, #tpu.memory_space<semaphore_mem>>, %arg19: memref<!tpu.dma_semaphore, #tpu.memory_space<semaphore_mem>>, %arg20: memref<!tpu.dma_semaphore, #tpu.memory_space<semaphore_mem>>, %arg21: memref<!tpu.dma_semaphore, #tpu.memory_space<semaphore_mem>>, %arg22: memref<!tpu.dma_semaphore, #tpu.memory_space<semaphore_mem>>) attributes {dimension_semantics = [#tpu.dimension_semantics<core_parallel>, #tpu.dimension_semantics<subcore_parallel>], iteration_bounds = array<i64: 2, 16>, scalar_prefetch = 0 : i64, scratch_operands = 12 : i64, tpu.core_type = #tpu.core_type<sc_vector_subcore>, window_params = [{transform_indices = #map}, {transform_indices = #map1}, {transform_indices = #map1}, {transform_indices = #map1}, {transform_indices = #map1}, {transform_indices = #map1}, {transform_indices = #map}, {transform_indices = #map1}, {transform_indices = #map1}]} {
    %mul3A = arith.constant 2 : i32
    %mul3A_0 = arith.muli %arg1, %mul3A : i32
    %add3A = arith.addi %mul3A_0, %arg0 : i32
    %mul3A_1 = arith.constant 64 : i32
    %mul3A_2 = arith.muli %add3A, %mul3A_1 : i32
    "tpu.region"() ({
      %run_scoped3A = tpu.sem_alloc : memref<!tpu.dma_semaphore, #tpu.memory_space<semaphore_mem>>
      %dma_start3A_29 = tpu.memref_slice %arg3[%mul3A_2] : memref<2048xi32, #tpu.memory_space<hbm>> -> memref<64xi32, #tpu.memory_space<hbm>>
      %dma_start3A_30 = tpu.memref_slice %arg3[%mul3A_2] : memref<2048xi32, #tpu.memory_space<hbm>> -> memref<64xi32, #tpu.memory_space<hbm>>
      tpu.enqueue_dma source(%dma_start3A_30 : memref<64xi32, #tpu.memory_space<hbm>>) target(%arg11 : memref<64xi32, #tpu.memory_space<vmem>>) target_semaphore(%run_scoped3A : memref<!tpu.dma_semaphore, #tpu.memory_space<semaphore_mem>>)
      %dma_wait3A_31 = tpu.memref_slice %arg3[%mul3A_2] : memref<2048xi32, #tpu.memory_space<hbm>> -> memref<64xi32, #tpu.memory_space<hbm>>
      %dma_wait3A_32 = tpu.memref_slice %arg3[%mul3A_2] : memref<2048xi32, #tpu.memory_space<hbm>> -> memref<64xi32, #tpu.memory_space<hbm>>
      tpu.wait_dma2 semaphore(%run_scoped3A : memref<!tpu.dma_semaphore, #tpu.memory_space<semaphore_mem>>) src(%dma_wait3A_32 : memref<64xi32, #tpu.memory_space<hbm>>) dst(%arg11 : memref<64xi32, #tpu.memory_space<vmem>>)
      tpu.yield
    }) : () -> ()
    "tpu.region"() ({
      %run_scoped3A = tpu.sem_alloc : memref<!tpu.dma_semaphore, #tpu.memory_space<semaphore_mem>>
      %dma_start3A_29 = tpu.memref_slice %arg4[%mul3A_2] : memref<2048xi32, #tpu.memory_space<hbm>> -> memref<64xi32, #tpu.memory_space<hbm>>
      %dma_start3A_30 = tpu.memref_slice %arg4[%mul3A_2] : memref<2048xi32, #tpu.memory_space<hbm>> -> memref<64xi32, #tpu.memory_space<hbm>>
      tpu.enqueue_dma source(%dma_start3A_30 : memref<64xi32, #tpu.memory_space<hbm>>) target(%arg12 : memref<64xi32, #tpu.memory_space<vmem>>) target_semaphore(%run_scoped3A : memref<!tpu.dma_semaphore, #tpu.memory_space<semaphore_mem>>)
      %dma_wait3A_31 = tpu.memref_slice %arg4[%mul3A_2] : memref<2048xi32, #tpu.memory_space<hbm>> -> memref<64xi32, #tpu.memory_space<hbm>>
      %dma_wait3A_32 = tpu.memref_slice %arg4[%mul3A_2] : memref<2048xi32, #tpu.memory_space<hbm>> -> memref<64xi32, #tpu.memory_space<hbm>>
      tpu.wait_dma2 semaphore(%run_scoped3A : memref<!tpu.dma_semaphore, #tpu.memory_space<semaphore_mem>>) src(%dma_wait3A_32 : memref<64xi32, #tpu.memory_space<hbm>>) dst(%arg12 : memref<64xi32, #tpu.memory_space<vmem>>)
      tpu.yield
    }) : () -> ()
    "tpu.region"() ({
      %run_scoped3A = tpu.sem_alloc : memref<!tpu.dma_semaphore, #tpu.memory_space<semaphore_mem>>
      %dma_start3A_29 = arith.constant 0 : i32
      %dma_start3A_30 = tpu.memref_slice %arg2[%mul3A_2, %dma_start3A_29] : memref<2048x384xf32, #tpu.memory_space<hbm>> -> memref<64x384xf32, #tpu.memory_space<hbm>>
      %dma_start3A_31 = arith.constant 0 : i32
      %dma_start3A_32 = tpu.memref_slice %arg2[%mul3A_2, %dma_start3A_31] : memref<2048x384xf32, #tpu.memory_space<hbm>> -> memref<64x384xf32, #tpu.memory_space<hbm>>
      tpu.enqueue_dma source(%dma_start3A_32 : memref<64x384xf32, #tpu.memory_space<hbm>>) target(%arg13 : memref<64x384xf32, #tpu.memory_space<vmem>>) target_semaphore(%run_scoped3A : memref<!tpu.dma_semaphore, #tpu.memory_space<semaphore_mem>>)
      %dma_wait3A_33 = arith.constant 0 : i32
      %dma_wait3A_34 = tpu.memref_slice %arg2[%mul3A_2, %dma_wait3A_33] : memref<2048x384xf32, #tpu.memory_space<hbm>> -> memref<64x384xf32, #tpu.memory_space<hbm>>
      %dma_wait3A_35 = arith.constant 0 : i32
      %dma_wait3A_36 = tpu.memref_slice %arg2[%mul3A_2, %dma_wait3A_35] : memref<2048x384xf32, #tpu.memory_space<hbm>> -> memref<64x384xf32, #tpu.memory_space<hbm>>
      tpu.wait_dma2 semaphore(%run_scoped3A : memref<!tpu.dma_semaphore, #tpu.memory_space<semaphore_mem>>) src(%dma_wait3A_36 : memref<64x384xf32, #tpu.memory_space<hbm>>) dst(%arg13 : memref<64x384xf32, #tpu.memory_space<vmem>>)
      tpu.yield
    }) : () -> ()
    "tpu.region"() ({
      %run_scoped3A = tpu.sem_alloc : memref<!tpu.dma_semaphore, #tpu.memory_space<semaphore_mem>>
      %dma_start3A_29 = tpu.memref_slice %arg5[%mul3A_2] : memref<2048xf32, #tpu.memory_space<hbm>> -> memref<64xf32, #tpu.memory_space<hbm>>
      %dma_start3A_30 = tpu.memref_slice %arg5[%mul3A_2] : memref<2048xf32, #tpu.memory_space<hbm>> -> memref<64xf32, #tpu.memory_space<hbm>>
      tpu.enqueue_dma source(%dma_start3A_30 : memref<64xf32, #tpu.memory_space<hbm>>) target(%arg14 : memref<64xf32, #tpu.memory_space<vmem>>) target_semaphore(%run_scoped3A : memref<!tpu.dma_semaphore, #tpu.memory_space<semaphore_mem>>)
      %dma_wait3A_31 = tpu.memref_slice %arg5[%mul3A_2] : memref<2048xf32, #tpu.memory_space<hbm>> -> memref<64xf32, #tpu.memory_space<hbm>>
      %dma_wait3A_32 = tpu.memref_slice %arg5[%mul3A_2] : memref<2048xf32, #tpu.memory_space<hbm>> -> memref<64xf32, #tpu.memory_space<hbm>>
      tpu.wait_dma2 semaphore(%run_scoped3A : memref<!tpu.dma_semaphore, #tpu.memory_space<semaphore_mem>>) src(%dma_wait3A_32 : memref<64xf32, #tpu.memory_space<hbm>>) dst(%arg14 : memref<64xf32, #tpu.memory_space<vmem>>)
      tpu.yield
    }) : () -> ()
    "tpu.region"() ({
      %run_scoped3A = tpu.sem_alloc : memref<!tpu.dma_semaphore, #tpu.memory_space<semaphore_mem>>
      %dma_start3A_29 = tpu.memref_slice %arg6[%mul3A_2] : memref<2048xf32, #tpu.memory_space<hbm>> -> memref<64xf32, #tpu.memory_space<hbm>>
      %dma_start3A_30 = tpu.memref_slice %arg6[%mul3A_2] : memref<2048xf32, #tpu.memory_space<hbm>> -> memref<64xf32, #tpu.memory_space<hbm>>
      tpu.enqueue_dma source(%dma_start3A_30 : memref<64xf32, #tpu.memory_space<hbm>>) target(%arg15 : memref<64xf32, #tpu.memory_space<vmem>>) target_semaphore(%run_scoped3A : memref<!tpu.dma_semaphore, #tpu.memory_space<semaphore_mem>>)
      %dma_wait3A_31 = tpu.memref_slice %arg6[%mul3A_2] : memref<2048xf32, #tpu.memory_space<hbm>> -> memref<64xf32, #tpu.memory_space<hbm>>
      %dma_wait3A_32 = tpu.memref_slice %arg6[%mul3A_2] : memref<2048xf32, #tpu.memory_space<hbm>> -> memref<64xf32, #tpu.memory_space<hbm>>
      tpu.wait_dma2 semaphore(%run_scoped3A : memref<!tpu.dma_semaphore, #tpu.memory_space<semaphore_mem>>) src(%dma_wait3A_32 : memref<64xf32, #tpu.memory_space<hbm>>) dst(%arg15 : memref<64xf32, #tpu.memory_space<vmem>>)
      tpu.yield
    }) : () -> ()
    "tpu.region"() ({
      %run_scoped3A = tpu.sem_alloc : memref<!tpu.dma_semaphore, #tpu.memory_space<semaphore_mem>>
      %dma_start3A_29 = tpu.memref_slice %arg7[%mul3A_2] : memref<2048xi32, #tpu.memory_space<hbm>> -> memref<64xi32, #tpu.memory_space<hbm>>
      %dma_start3A_30 = tpu.memref_slice %arg7[%mul3A_2] : memref<2048xi32, #tpu.memory_space<hbm>> -> memref<64xi32, #tpu.memory_space<hbm>>
      tpu.enqueue_dma source(%dma_start3A_30 : memref<64xi32, #tpu.memory_space<hbm>>) target(%arg16 : memref<64xi32, #tpu.memory_space<vmem>>) target_semaphore(%run_scoped3A : memref<!tpu.dma_semaphore, #tpu.memory_space<semaphore_mem>>)
      %dma_wait3A_31 = tpu.memref_slice %arg7[%mul3A_2] : memref<2048xi32, #tpu.memory_space<hbm>> -> memref<64xi32, #tpu.memory_space<hbm>>
      %dma_wait3A_32 = tpu.memref_slice %arg7[%mul3A_2] : memref<2048xi32, #tpu.memory_space<hbm>> -> memref<64xi32, #tpu.memory_space<hbm>>
      tpu.wait_dma2 semaphore(%run_scoped3A : memref<!tpu.dma_semaphore, #tpu.memory_space<semaphore_mem>>) src(%dma_wait3A_32 : memref<64xi32, #tpu.memory_space<hbm>>) dst(%arg16 : memref<64xi32, #tpu.memory_space<vmem>>)
      tpu.yield
    }) : () -> ()
    %dma_start3A = arith.constant 0 : i32
    %dma_start3A_3 = arith.constant 0 : i32
    %dma_start3A_4 = tpu.memref_slice %arg8[%dma_start3A, %dma_start3A_3] : memref<12288x384xf32, #tpu.memory_space<hbm>> -> memref<12288x384xf32, #tpu.memory_space<hbm>>
    tpu.enqueue_indirect_dma source(%arg13 : memref<64x384xf32, #tpu.memory_space<vmem>>) target(%dma_start3A_4 : memref<12288x384xf32, #tpu.memory_space<hbm>>) offsets(%arg11 : memref<64xi32, #tpu.memory_space<vmem>>) semaphore(%arg17 : memref<!tpu.dma_semaphore, #tpu.memory_space<semaphore_mem>>)
    %dma_start3A_5 = arith.constant 0 : i32
    %dma_start3A_6 = arith.constant 0 : i32
    %dma_start3A_7 = tpu.memref_slice %arg8[%dma_start3A_5, %dma_start3A_6] : memref<12288x384xf32, #tpu.memory_space<hbm>> -> memref<12288x384xf32, #tpu.memory_space<hbm>>
    tpu.enqueue_indirect_dma source(%arg13 : memref<64x384xf32, #tpu.memory_space<vmem>>) target(%dma_start3A_7 : memref<12288x384xf32, #tpu.memory_space<hbm>>) offsets(%arg12 : memref<64xi32, #tpu.memory_space<vmem>>) semaphore(%arg18 : memref<!tpu.dma_semaphore, #tpu.memory_space<semaphore_mem>>)
    %dma_start3A_8 = arith.constant 0 : i32
    %dma_start3A_9 = tpu.memref_slice %arg9[%dma_start3A_8] : memref<12288xf32, #tpu.memory_space<hbm>> -> memref<12288xf32, #tpu.memory_space<hbm>>
    tpu.enqueue_indirect_dma source(%arg14 : memref<64xf32, #tpu.memory_space<vmem>>) target(%dma_start3A_9 : memref<12288xf32, #tpu.memory_space<hbm>>) offsets(%arg11 : memref<64xi32, #tpu.memory_space<vmem>>) semaphore(%arg19 : memref<!tpu.dma_semaphore, #tpu.memory_space<semaphore_mem>>)
    %dma_start3A_10 = arith.constant 0 : i32
    %dma_start3A_11 = tpu.memref_slice %arg9[%dma_start3A_10] : memref<12288xf32, #tpu.memory_space<hbm>> -> memref<12288xf32, #tpu.memory_space<hbm>>
    tpu.enqueue_indirect_dma source(%arg15 : memref<64xf32, #tpu.memory_space<vmem>>) target(%dma_start3A_11 : memref<12288xf32, #tpu.memory_space<hbm>>) offsets(%arg12 : memref<64xi32, #tpu.memory_space<vmem>>) semaphore(%arg20 : memref<!tpu.dma_semaphore, #tpu.memory_space<semaphore_mem>>)
    %dma_start3A_12 = arith.constant 0 : i32
    %dma_start3A_13 = tpu.memref_slice %arg10[%dma_start3A_12] : memref<12288xi32, #tpu.memory_space<hbm>> -> memref<12288xi32, #tpu.memory_space<hbm>>
    tpu.enqueue_indirect_dma source(%arg16 : memref<64xi32, #tpu.memory_space<vmem>>) target(%dma_start3A_13 : memref<12288xi32, #tpu.memory_space<hbm>>) offsets(%arg11 : memref<64xi32, #tpu.memory_space<vmem>>) semaphore(%arg21 : memref<!tpu.dma_semaphore, #tpu.memory_space<semaphore_mem>>)
    %dma_start3A_14 = arith.constant 0 : i32
    %dma_start3A_15 = tpu.memref_slice %arg10[%dma_start3A_14] : memref<12288xi32, #tpu.memory_space<hbm>> -> memref<12288xi32, #tpu.memory_space<hbm>>
    tpu.enqueue_indirect_dma source(%arg16 : memref<64xi32, #tpu.memory_space<vmem>>) target(%dma_start3A_15 : memref<12288xi32, #tpu.memory_space<hbm>>) offsets(%arg12 : memref<64xi32, #tpu.memory_space<vmem>>) semaphore(%arg22 : memref<!tpu.dma_semaphore, #tpu.memory_space<semaphore_mem>>)
    %dma_wait3A = arith.constant 0 : i32
    %dma_wait3A_16 = arith.constant 0 : i32
    %dma_wait3A_17 = tpu.memref_slice %arg8[%dma_wait3A, %dma_wait3A_16] : memref<12288x384xf32, #tpu.memory_space<hbm>> -> memref<12288x384xf32, #tpu.memory_space<hbm>>
    tpu.wait_indirect_dma semaphore(%arg17 : memref<!tpu.dma_semaphore, #tpu.memory_space<semaphore_mem>>) src(%arg13 : memref<64x384xf32, #tpu.memory_space<vmem>>) dst(%dma_wait3A_17 : memref<12288x384xf32, #tpu.memory_space<hbm>>)
    %dma_wait3A_18 = arith.constant 0 : i32
    %dma_wait3A_19 = arith.constant 0 : i32
    %dma_wait3A_20 = tpu.memref_slice %arg8[%dma_wait3A_18, %dma_wait3A_19] : memref<12288x384xf32, #tpu.memory_space<hbm>> -> memref<12288x384xf32, #tpu.memory_space<hbm>>
    tpu.wait_indirect_dma semaphore(%arg18 : memref<!tpu.dma_semaphore, #tpu.memory_space<semaphore_mem>>) src(%arg13 : memref<64x384xf32, #tpu.memory_space<vmem>>) dst(%dma_wait3A_20 : memref<12288x384xf32, #tpu.memory_space<hbm>>)
    %dma_wait3A_21 = arith.constant 0 : i32
    %dma_wait3A_22 = tpu.memref_slice %arg9[%dma_wait3A_21] : memref<12288xf32, #tpu.memory_space<hbm>> -> memref<12288xf32, #tpu.memory_space<hbm>>
    tpu.wait_indirect_dma semaphore(%arg19 : memref<!tpu.dma_semaphore, #tpu.memory_space<semaphore_mem>>) src(%arg14 : memref<64xf32, #tpu.memory_space<vmem>>) dst(%dma_wait3A_22 : memref<12288xf32, #tpu.memory_space<hbm>>)
    %dma_wait3A_23 = arith.constant 0 : i32
    %dma_wait3A_24 = tpu.memref_slice %arg9[%dma_wait3A_23] : memref<12288xf32, #tpu.memory_space<hbm>> -> memref<12288xf32, #tpu.memory_space<hbm>>
    tpu.wait_indirect_dma semaphore(%arg20 : memref<!tpu.dma_semaphore, #tpu.memory_space<semaphore_mem>>) src(%arg15 : memref<64xf32, #tpu.memory_space<vmem>>) dst(%dma_wait3A_24 : memref<12288xf32, #tpu.memory_space<hbm>>)
    %dma_wait3A_25 = arith.constant 0 : i32
    %dma_wait3A_26 = tpu.memref_slice %arg10[%dma_wait3A_25] : memref<12288xi32, #tpu.memory_space<hbm>> -> memref<12288xi32, #tpu.memory_space<hbm>>
    tpu.wait_indirect_dma semaphore(%arg21 : memref<!tpu.dma_semaphore, #tpu.memory_space<semaphore_mem>>) src(%arg16 : memref<64xi32, #tpu.memory_space<vmem>>) dst(%dma_wait3A_26 : memref<12288xi32, #tpu.memory_space<hbm>>)
    %dma_wait3A_27 = arith.constant 0 : i32
    %dma_wait3A_28 = tpu.memref_slice %arg10[%dma_wait3A_27] : memref<12288xi32, #tpu.memory_space<hbm>> -> memref<12288xi32, #tpu.memory_space<hbm>>
    tpu.wait_indirect_dma semaphore(%arg22 : memref<!tpu.dma_semaphore, #tpu.memory_space<semaphore_mem>>) src(%arg16 : memref<64xi32, #tpu.memory_space<vmem>>) dst(%dma_wait3A_28 : memref<12288xi32, #tpu.memory_space<hbm>>)
    return
  }
}

#map = affine_map<(d0, d1) -> (0, 0)>
#map1 = affine_map<(d0, d1) -> (0)>
module attributes {stable_mosaic.version = 14 : i64} {
  func.func @k(%arg0: i32, %arg1: i32, %arg2: memref<12288x768xf32, #tpu.memory_space<hbm>>, %arg3: memref<2048xi32, #tpu.memory_space<hbm>>, %arg4: memref<2048xi32, #tpu.memory_space<hbm>>, %arg5: memref<2048x768xf32, #tpu.memory_space<hbm>>, %arg6: memref<64xi32, #tpu.memory_space<vmem>>, %arg7: memref<64xi32, #tpu.memory_space<vmem>>, %arg8: memref<64x768xf32, #tpu.memory_space<vmem>>, %arg9: memref<64x768xf32, #tpu.memory_space<vmem>>, %arg10: memref<!tpu.dma_semaphore, #tpu.memory_space<semaphore_mem>>) attributes {dimension_semantics = [#tpu.dimension_semantics<core_parallel>, #tpu.dimension_semantics<subcore_parallel>], iteration_bounds = array<i64: 2, 16>, scalar_prefetch = 0 : i64, scratch_operands = 5 : i64, tpu.core_type = #tpu.core_type<sc_vector_subcore>, window_params = [{transform_indices = #map}, {transform_indices = #map1}, {transform_indices = #map1}, {transform_indices = #map}]} {
    %mul3A = arith.constant 2 : i32
    %mul3A_0 = arith.muli %arg1, %mul3A : i32
    %add3A = arith.addi %mul3A_0, %arg0 : i32
    %mul3A_1 = arith.constant 64 : i32
    %mul3A_2 = arith.muli %add3A, %mul3A_1 : i32
    "tpu.region"() ({
      %run_scoped3A = tpu.sem_alloc : memref<!tpu.dma_semaphore, #tpu.memory_space<semaphore_mem>>
      %dma_start3A_19 = tpu.memref_slice %arg3[%mul3A_2] : memref<2048xi32, #tpu.memory_space<hbm>> -> memref<64xi32, #tpu.memory_space<hbm>>
      %dma_start3A_20 = tpu.memref_slice %arg3[%mul3A_2] : memref<2048xi32, #tpu.memory_space<hbm>> -> memref<64xi32, #tpu.memory_space<hbm>>
      tpu.enqueue_dma source(%dma_start3A_20 : memref<64xi32, #tpu.memory_space<hbm>>) target(%arg6 : memref<64xi32, #tpu.memory_space<vmem>>) target_semaphore(%run_scoped3A : memref<!tpu.dma_semaphore, #tpu.memory_space<semaphore_mem>>)
      %dma_wait3A_21 = tpu.memref_slice %arg3[%mul3A_2] : memref<2048xi32, #tpu.memory_space<hbm>> -> memref<64xi32, #tpu.memory_space<hbm>>
      %dma_wait3A_22 = tpu.memref_slice %arg3[%mul3A_2] : memref<2048xi32, #tpu.memory_space<hbm>> -> memref<64xi32, #tpu.memory_space<hbm>>
      tpu.wait_dma2 semaphore(%run_scoped3A : memref<!tpu.dma_semaphore, #tpu.memory_space<semaphore_mem>>) src(%dma_wait3A_22 : memref<64xi32, #tpu.memory_space<hbm>>) dst(%arg6 : memref<64xi32, #tpu.memory_space<vmem>>)
      tpu.yield
    }) : () -> ()
    "tpu.region"() ({
      %run_scoped3A = tpu.sem_alloc : memref<!tpu.dma_semaphore, #tpu.memory_space<semaphore_mem>>
      %dma_start3A_19 = tpu.memref_slice %arg4[%mul3A_2] : memref<2048xi32, #tpu.memory_space<hbm>> -> memref<64xi32, #tpu.memory_space<hbm>>
      %dma_start3A_20 = tpu.memref_slice %arg4[%mul3A_2] : memref<2048xi32, #tpu.memory_space<hbm>> -> memref<64xi32, #tpu.memory_space<hbm>>
      tpu.enqueue_dma source(%dma_start3A_20 : memref<64xi32, #tpu.memory_space<hbm>>) target(%arg7 : memref<64xi32, #tpu.memory_space<vmem>>) target_semaphore(%run_scoped3A : memref<!tpu.dma_semaphore, #tpu.memory_space<semaphore_mem>>)
      %dma_wait3A_21 = tpu.memref_slice %arg4[%mul3A_2] : memref<2048xi32, #tpu.memory_space<hbm>> -> memref<64xi32, #tpu.memory_space<hbm>>
      %dma_wait3A_22 = tpu.memref_slice %arg4[%mul3A_2] : memref<2048xi32, #tpu.memory_space<hbm>> -> memref<64xi32, #tpu.memory_space<hbm>>
      tpu.wait_dma2 semaphore(%run_scoped3A : memref<!tpu.dma_semaphore, #tpu.memory_space<semaphore_mem>>) src(%dma_wait3A_22 : memref<64xi32, #tpu.memory_space<hbm>>) dst(%arg7 : memref<64xi32, #tpu.memory_space<vmem>>)
      tpu.yield
    }) : () -> ()
    %dma_start3A = arith.constant 0 : i32
    %dma_start3A_3 = arith.constant 0 : i32
    %dma_start3A_4 = tpu.memref_slice %arg2[%dma_start3A, %dma_start3A_3] : memref<12288x768xf32, #tpu.memory_space<hbm>> -> memref<12288x768xf32, #tpu.memory_space<hbm>>
    tpu.enqueue_indirect_dma source(%dma_start3A_4 : memref<12288x768xf32, #tpu.memory_space<hbm>>) target(%arg8 : memref<64x768xf32, #tpu.memory_space<vmem>>) offsets(%arg6 : memref<64xi32, #tpu.memory_space<vmem>>) semaphore(%arg10 : memref<!tpu.dma_semaphore, #tpu.memory_space<semaphore_mem>>)
    %dma_wait3A = arith.constant 0 : i32
    %dma_wait3A_5 = arith.constant 0 : i32
    %dma_wait3A_6 = tpu.memref_slice %arg2[%dma_wait3A, %dma_wait3A_5] : memref<12288x768xf32, #tpu.memory_space<hbm>> -> memref<12288x768xf32, #tpu.memory_space<hbm>>
    tpu.wait_indirect_dma semaphore(%arg10 : memref<!tpu.dma_semaphore, #tpu.memory_space<semaphore_mem>>) src(%dma_wait3A_6 : memref<12288x768xf32, #tpu.memory_space<hbm>>) dst(%arg8 : memref<64x768xf32, #tpu.memory_space<vmem>>)
    %dma_start3A_7 = arith.constant 0 : i32
    %dma_start3A_8 = arith.constant 0 : i32
    %dma_start3A_9 = tpu.memref_slice %arg2[%dma_start3A_7, %dma_start3A_8] : memref<12288x768xf32, #tpu.memory_space<hbm>> -> memref<12288x768xf32, #tpu.memory_space<hbm>>
    tpu.enqueue_indirect_dma source(%dma_start3A_9 : memref<12288x768xf32, #tpu.memory_space<hbm>>) target(%arg9 : memref<64x768xf32, #tpu.memory_space<vmem>>) offsets(%arg7 : memref<64xi32, #tpu.memory_space<vmem>>) semaphore(%arg10 : memref<!tpu.dma_semaphore, #tpu.memory_space<semaphore_mem>>)
    %dma_wait3A_10 = arith.constant 0 : i32
    %dma_wait3A_11 = arith.constant 0 : i32
    %dma_wait3A_12 = tpu.memref_slice %arg2[%dma_wait3A_10, %dma_wait3A_11] : memref<12288x768xf32, #tpu.memory_space<hbm>> -> memref<12288x768xf32, #tpu.memory_space<hbm>>
    tpu.wait_indirect_dma semaphore(%arg10 : memref<!tpu.dma_semaphore, #tpu.memory_space<semaphore_mem>>) src(%dma_wait3A_12 : memref<12288x768xf32, #tpu.memory_space<hbm>>) dst(%arg9 : memref<64x768xf32, #tpu.memory_space<vmem>>)
    %scan3A = arith.constant 0 : i32
    %scan3A_13 = arith.constant 0 : i32
    %scan3A_14 = arith.constant 64 : i32
    %scan3A_15 = arith.addi %scan3A_13, %scan3A_14 : i32
    %scan3A_16 = arith.constant 1 : i32
    %scan3A_17 = scf.for %scan3A_19 = %scan3A_13 to %scan3A_15 step %scan3A_16 iter_args(%scan3A_20 = %scan3A) -> (i32)  : i32 {
      %scan3A_21 = arith.constant 0 : i32
      %scan3A_22 = arith.constant 0 : i32
      %scan3A_23 = arith.constant 48 : i32
      %scan3A_24 = arith.addi %scan3A_22, %scan3A_23 : i32
      %scan3A_25 = arith.constant 1 : i32
      %scan3A_26 = scf.for %scan3A_28 = %scan3A_22 to %scan3A_24 step %scan3A_25 iter_args(%scan3A_29 = %scan3A_21) -> (i32)  : i32 {
        %mul3A_30 = arith.constant 16 : i32
        %mul3A_31 = arith.muli %scan3A_28, %mul3A_30 : i32
        %get3A = arith.index_cast %scan3A_19 : i32 to index
        %get3A_32 = arith.index_cast %mul3A_31 : i32 to index
        %get3A_33 = tpu.vector_load %arg8[%get3A, %get3A_32] {strides = array<i32>} : memref<64x768xf32, #tpu.memory_space<vmem>>, vector<1x16xf32>,
        %get3A_34 = vector.shape_cast %get3A_33 : vector<1x16xf32> to vector<16xf32>
        %get3A_35 = arith.index_cast %scan3A_19 : i32 to index
        %get3A_36 = arith.index_cast %mul3A_31 : i32 to index
        %get3A_37 = tpu.vector_load %arg9[%get3A_35, %get3A_36] {strides = array<i32>} : memref<64x768xf32, #tpu.memory_space<vmem>>, vector<1x16xf32>,
        %get3A_38 = vector.shape_cast %get3A_37 : vector<1x16xf32> to vector<16xf32>
        %add3A_39 = arith.addf %get3A_34, %get3A_38 : vector<16xf32>
        %swap3A = arith.index_cast %scan3A_19 : i32 to index
        %swap3A_40 = arith.index_cast %mul3A_31 : i32 to index
        %swap3A_41 = tpu.vector_load %arg8[%swap3A, %swap3A_40] {strides = array<i32>} : memref<64x768xf32, #tpu.memory_space<vmem>>, vector<1x16xf32>,
        %swap3A_42 = vector.shape_cast %swap3A_41 : vector<1x16xf32> to vector<16xf32>
        %swap3A_43 = vector.shape_cast %add3A_39 : vector<16xf32> to vector<1x16xf32>
        tpu.vector_store %arg8[%swap3A, %swap3A_40], %swap3A_43 {strides = array<i32>} : memref<64x768xf32, #tpu.memory_space<vmem>>, vector<1x16xf32>,
        %scan3A_44 = arith.constant 0 : i32
        scf.yield %scan3A_44 : i32
      }
      %scan3A_27 = arith.constant 48 : i32
      scf.yield %scan3A_26 : i32
    }
    %scan3A_18 = arith.constant 64 : i32
    "tpu.region"() ({
      %run_scoped3A = tpu.sem_alloc : memref<!tpu.dma_semaphore, #tpu.memory_space<semaphore_mem>>
      %dma_start3A_19 = arith.constant 0 : i32
      %dma_start3A_20 = tpu.memref_slice %arg5[%mul3A_2, %dma_start3A_19] : memref<2048x768xf32, #tpu.memory_space<hbm>> -> memref<64x768xf32, #tpu.memory_space<hbm>>
      %dma_start3A_21 = arith.constant 0 : i32
      %dma_start3A_22 = tpu.memref_slice %arg5[%mul3A_2, %dma_start3A_21] : memref<2048x768xf32, #tpu.memory_space<hbm>> -> memref<64x768xf32, #tpu.memory_space<hbm>>
      tpu.enqueue_dma source(%arg8 : memref<64x768xf32, #tpu.memory_space<vmem>>) target(%dma_start3A_22 : memref<64x768xf32, #tpu.memory_space<hbm>>) target_semaphore(%run_scoped3A : memref<!tpu.dma_semaphore, #tpu.memory_space<semaphore_mem>>)
      %dma_wait3A_23 = arith.constant 0 : i32
      %dma_wait3A_24 = tpu.memref_slice %arg5[%mul3A_2, %dma_wait3A_23] : memref<2048x768xf32, #tpu.memory_space<hbm>> -> memref<64x768xf32, #tpu.memory_space<hbm>>
      %dma_wait3A_25 = arith.constant 0 : i32
      %dma_wait3A_26 = tpu.memref_slice %arg5[%mul3A_2, %dma_wait3A_25] : memref<2048x768xf32, #tpu.memory_space<hbm>> -> memref<64x768xf32, #tpu.memory_space<hbm>>
      tpu.wait_dma2 semaphore(%run_scoped3A : memref<!tpu.dma_semaphore, #tpu.memory_space<semaphore_mem>>) src(%arg8 : memref<64x768xf32, #tpu.memory_space<vmem>>) dst(%dma_wait3A_26 : memref<64x768xf32, #tpu.memory_space<hbm>>)
      tpu.yield
    }) : () -> ()
    return
  }
}

module attributes {stable_mosaic.version = 14 : i64} {
  func.func @_gating_kernel(%arg0: memref<2048x768xf32, #tpu.memory_space<vmem>>, %arg1: memref<768x64xf32, #tpu.memory_space<vmem>>, %arg2: memref<2048x384xf32, #tpu.memory_space<vmem>>, %arg3: memref<2048x1xi32, #tpu.memory_space<vmem>>, %arg4: memref<2048x1xi32, #tpu.memory_space<vmem>>, %arg5: memref<2048x1xf32, #tpu.memory_space<vmem>>, %arg6: memref<2048x1xf32, #tpu.memory_space<vmem>>, %arg7: memref<96x1xi32, #tpu.memory_space<vmem>>, %arg8: memref<1x1xi32, #tpu.memory_space<smem>>, %arg9: memref<1x1xf32, #tpu.memory_space<smem>>) attributes {dimension_semantics = [], scalar_prefetch = 0 : i64, scratch_operands = 0 : i64, tpu.core_type = #tpu.core_type<tc>} {
    %get3A = arith.constant 0 : index
    %get3A_0 = arith.constant 0 : index
    %get3A_1 = vector.load %arg0[%get3A, %get3A_0] : memref<2048x768xf32, #tpu.memory_space<vmem>>, vector<2048x768xf32>
    %slice3A = vector.extract_strided_slice %get3A_1 {offsets = [0, 0], sizes = [2048, 384], strides = [1, 1]} : vector<2048x768xf32> to vector<2048x384xf32>
    %convert_element_type3A = arith.truncf %slice3A : vector<2048x384xf32> to vector<2048x384xbf16>
    %bitcast_convert_type3A = tpu.bitcast %convert_element_type3A : vector<2048x384xbf16> -> vector<2048x384xi16>
    %convert_element_type3A_2 = arith.extui %bitcast_convert_type3A : vector<2048x384xi16> to vector<2048x384xi32>
    %slice3A_3 = vector.extract_strided_slice %get3A_1 {offsets = [0, 384], sizes = [2048, 384], strides = [1, 1]} : vector<2048x768xf32> to vector<2048x384xf32>
    %convert_element_type3A_4 = arith.truncf %slice3A_3 : vector<2048x384xf32> to vector<2048x384xbf16>
    %bitcast_convert_type3A_5 = tpu.bitcast %convert_element_type3A_4 : vector<2048x384xbf16> -> vector<2048x384xi16>
    %convert_element_type3A_6 = arith.extui %bitcast_convert_type3A_5 : vector<2048x384xi16> to vector<2048x384xi32>
    %shift_left3A = arith.constant 16 : i32
    %shift_left3A_7 = vector.broadcast %shift_left3A : i32 to vector<2048x384xi32>
    %shift_left3A_8 = arith.shli %convert_element_type3A_6, %shift_left3A_7 : vector<2048x384xi32>
    %or3A = arith.ori %convert_element_type3A_2, %shift_left3A_8 : vector<2048x384xi32>
    %bitcast_convert_type3A_9 = tpu.bitcast %or3A : vector<2048x384xi32> -> vector<2048x384xf32>
    %swap3A = arith.constant 0 : index
    %swap3A_10 = arith.constant 0 : index
    %swap3A_11 = vector.load %arg2[%swap3A, %swap3A_10] : memref<2048x384xf32, #tpu.memory_space<vmem>>, vector<2048x384xf32>
    tpu.vector_store %arg2[%swap3A, %swap3A_10], %bitcast_convert_type3A_9 {strides = array<i32>} : memref<2048x384xf32, #tpu.memory_space<vmem>>, vector<2048x384xf32>,
    %get3A_12 = arith.constant 0 : index
    %get3A_13 = arith.constant 0 : index
    %get3A_14 = vector.load %arg1[%get3A_12, %get3A_13] : memref<768x64xf32, #tpu.memory_space<vmem>>, vector<768x64xf32>
    %dot_general3A = arith.constant dense<0.000000e+00> : vector<2048x64xf32>
    %dot_general3A_15 = tpu.matmul %get3A_1, %get3A_14, %dot_general3A {dimension_numbers = #tpu.dot_dimension_numbers<[1], [0], [0], [1], [0, 0, 1, 1], [], []>, transpose_lhs_hint = false} : vector<2048x768xf32>, vector<768x64xf32>, vector<2048x64xf32> -> vector<2048x64xf32>
    %iota3A = tpu.iota {dimensions = array<i32: 1>} : vector<2048x64xi32>
    %reduce_max3A = arith.constant dense<0xFF800000> : vector<2048xf32>
    %reduce_max3A_16 = vector.multi_reduction <maximumf>, %dot_general3A_15, %reduce_max3A [1] : vector<2048x64xf32> to vector<2048xf32>
    %broadcast_in_dim3A = vector.shape_cast %reduce_max3A_16 : vector<2048xf32> to vector<2048x1xf32>
    %eq3A = vector.broadcast %broadcast_in_dim3A : vector<2048x1xf32> to vector<2048x64xf32>
    %eq3A_17 = arith.cmpf oeq, %dot_general3A_15, %eq3A : vector<2048x64xf32>
    %jit3A = arith.constant 64 : i32
    %broadcast_in_dim3A_18 = vector.broadcast %jit3A : i32 to vector<2048x64xi32>
    %select_n3A = arith.select %eq3A_17, %iota3A, %broadcast_in_dim3A_18 : vector<2048x64xi1>, vector<2048x64xi32>
    %reduce_min3A = arith.constant dense<2147483647> : vector<2048xi32>
    %reduce_min3A_19 = vector.multi_reduction <minsi>, %select_n3A, %reduce_min3A [1] : vector<2048x64xi32> to vector<2048xi32>
    %broadcast_in_dim3A_20 = vector.shape_cast %reduce_min3A_19 : vector<2048xi32> to vector<2048x1xi32>
    %eq3A_21 = vector.broadcast %broadcast_in_dim3A_20 : vector<2048x1xi32> to vector<2048x64xi32>
    %eq3A_22 = arith.cmpi eq, %iota3A, %eq3A_21 : vector<2048x64xi32>
    %jit3A_23 = arith.constant -3.000000e+38 : f32
    %broadcast_in_dim3A_24 = vector.broadcast %jit3A_23 : f32 to vector<2048x64xf32>
    %select_n3A_25 = arith.select %eq3A_22, %broadcast_in_dim3A_24, %dot_general3A_15 : vector<2048x64xi1>, vector<2048x64xf32>
    %reduce_max3A_26 = arith.constant dense<0xFF800000> : vector<2048xf32>
    %reduce_max3A_27 = vector.multi_reduction <maximumf>, %select_n3A_25, %reduce_max3A_26 [1] : vector<2048x64xf32> to vector<2048xf32>
    %broadcast_in_dim3A_28 = vector.shape_cast %reduce_max3A_27 : vector<2048xf32> to vector<2048x1xf32>
    %eq3A_29 = vector.broadcast %broadcast_in_dim3A_28 : vector<2048x1xf32> to vector<2048x64xf32>
    %eq3A_30 = arith.cmpf oeq, %select_n3A_25, %eq3A_29 : vector<2048x64xf32>
    %jit3A_31 = arith.constant 64 : i32
    %broadcast_in_dim3A_32 = vector.broadcast %jit3A_31 : i32 to vector<2048x64xi32>
    %select_n3A_33 = arith.select %eq3A_30, %iota3A, %broadcast_in_dim3A_32 : vector<2048x64xi1>, vector<2048x64xi32>
    %reduce_min3A_34 = arith.constant dense<2147483647> : vector<2048xi32>
    %reduce_min3A_35 = vector.multi_reduction <minsi>, %select_n3A_33, %reduce_min3A_34 [1] : vector<2048x64xi32> to vector<2048xi32>
    %broadcast_in_dim3A_36 = vector.shape_cast %reduce_min3A_35 : vector<2048xi32> to vector<2048x1xi32>
    %eq3A_37 = vector.broadcast %broadcast_in_dim3A_36 : vector<2048x1xi32> to vector<2048x64xi32>
    %eq3A_38 = arith.cmpi eq, %iota3A, %eq3A_37 : vector<2048x64xi32>
    %sub3A = arith.subf %broadcast_in_dim3A_28, %broadcast_in_dim3A : vector<2048x1xf32>
    %exp3A = math.exp %sub3A : vector<2048x1xf32>
    %add3A = arith.constant 1.000000e+00 : f32
    %add3A_39 = vector.broadcast %add3A : f32 to vector<2048x1xf32>
    %add3A_40 = arith.addf %add3A_39, %exp3A : vector<2048x1xf32>
    %div3A = arith.constant 1.000000e+00 : f32
    %div3A_41 = vector.broadcast %div3A : f32 to vector<2048x1xf32>
    %div3A_42 = arith.divf %div3A_41, %add3A_40 : vector<2048x1xf32>
    %add3A_43 = arith.constant 1.000000e+00 : f32
    %add3A_44 = vector.broadcast %add3A_43 : f32 to vector<2048x1xf32>
    %add3A_45 = arith.addf %add3A_44, %exp3A : vector<2048x1xf32>
    %div3A_46 = arith.divf %exp3A, %add3A_45 : vector<2048x1xf32>
    %swap3A_47 = arith.constant 0 : index
    %swap3A_48 = arith.constant 0 : index
    %swap3A_49 = vector.load %arg5[%swap3A_47, %swap3A_48] : memref<2048x1xf32, #tpu.memory_space<vmem>>, vector<2048x1xf32>
    tpu.vector_store %arg5[%swap3A_47, %swap3A_48], %div3A_42 {strides = array<i32>} : memref<2048x1xf32, #tpu.memory_space<vmem>>, vector<2048x1xf32>,
    %swap3A_50 = arith.constant 0 : index
    %swap3A_51 = arith.constant 0 : index
    %swap3A_52 = vector.load %arg6[%swap3A_50, %swap3A_51] : memref<2048x1xf32, #tpu.memory_space<vmem>>, vector<2048x1xf32>
    tpu.vector_store %arg6[%swap3A_50, %swap3A_51], %div3A_46 {strides = array<i32>} : memref<2048x1xf32, #tpu.memory_space<vmem>>, vector<2048x1xf32>,
    %convert_element_type3A_53 = arith.extui %eq3A_22 : vector<2048x64xi1> to vector<2048x64xi32>
    %convert_element_type3A_54 = arith.sitofp %convert_element_type3A_53 : vector<2048x64xi32> to vector<2048x64xf32>
    %convert_element_type3A_55 = arith.extui %eq3A_38 : vector<2048x64xi1> to vector<2048x64xi32>
    %convert_element_type3A_56 = arith.sitofp %convert_element_type3A_55 : vector<2048x64xi32> to vector<2048x64xf32>
    %iota3A_57 = tpu.iota {dimensions = array<i32: 0>} : vector<2048x2048xi32>
    %iota3A_58 = tpu.iota {dimensions = array<i32: 1>} : vector<2048x2048xi32>
    %lt3A = arith.cmpi slt, %iota3A_58, %iota3A_57 : vector<2048x2048xi32>
    %convert_element_type3A_59 = arith.extui %lt3A : vector<2048x2048xi1> to vector<2048x2048xi32>
    %convert_element_type3A_60 = arith.sitofp %convert_element_type3A_59 : vector<2048x2048xi32> to vector<2048x2048xf32>
    %concatenate3A = tpu.concatenate %convert_element_type3A_54, %convert_element_type3A_56 in 1 : vector<2048x64xf32>, vector<2048x64xf32> -> vector<2048x128xf32>
    %dot_general3A_61 = arith.constant dense<0.000000e+00> : vector<2048x128xf32>
    %dot_general3A_62 = tpu.matmul %convert_element_type3A_60, %concatenate3A, %dot_general3A_61 {dimension_numbers = #tpu.dot_dimension_numbers<[1], [0], [0], [1], [0, 0, 1, 1], [], []>, transpose_lhs_hint = false} : vector<2048x2048xf32>, vector<2048x128xf32>, vector<2048x128xf32> -> vector<2048x128xf32>
    %slice3A_63 = vector.extract_strided_slice %dot_general3A_62 {offsets = [0, 0], sizes = [2048, 64], strides = [1, 1]} : vector<2048x128xf32> to vector<2048x64xf32>
    %slice3A_64 = vector.extract_strided_slice %dot_general3A_62 {offsets = [0, 64], sizes = [2048, 64], strides = [1, 1]} : vector<2048x128xf32> to vector<2048x64xf32>
    %reduce_sum3A = arith.constant dense<0.000000e+00> : vector<64xf32>
    %reduce_sum3A_65 = vector.multi_reduction <add>, %convert_element_type3A_54, %reduce_sum3A [0] : vector<2048x64xf32> to vector<64xf32>
    %broadcast_in_dim3A_66 = vector.shape_cast %reduce_sum3A_65 : vector<64xf32> to vector<1x64xf32>
    %jit3A_67 = arith.constant 0.000000e+00 : f32
    %broadcast_in_dim3A_68 = vector.broadcast %jit3A_67 : f32 to vector<2048x64xf32>
    %select_n3A_69 = arith.select %eq3A_22, %slice3A_63, %broadcast_in_dim3A_68 : vector<2048x64xi1>, vector<2048x64xf32>
    %reduce_sum3A_70 = arith.constant dense<0.000000e+00> : vector<2048xf32>
    %reduce_sum3A_71 = vector.multi_reduction <add>, %select_n3A_69, %reduce_sum3A_70 [1] : vector<2048x64xf32> to vector<2048xf32>
    %broadcast_in_dim3A_72 = vector.shape_cast %reduce_sum3A_71 : vector<2048xf32> to vector<2048x1xf32>
    %add3A_73 = vector.broadcast %broadcast_in_dim3A_66 : vector<1x64xf32> to vector<2048x64xf32>
    %add3A_74 = arith.addf %add3A_73, %slice3A_64 : vector<2048x64xf32>
    %jit3A_75 = arith.constant 0.000000e+00 : f32
    %broadcast_in_dim3A_76 = vector.broadcast %jit3A_75 : f32 to vector<2048x64xf32>
    %select_n3A_77 = arith.select %eq3A_38, %add3A_74, %broadcast_in_dim3A_76 : vector<2048x64xi1>, vector<2048x64xf32>
    %reduce_sum3A_78 = arith.constant dense<0.000000e+00> : vector<2048xf32>
    %reduce_sum3A_79 = vector.multi_reduction <add>, %select_n3A_77, %reduce_sum3A_78 [1] : vector<2048x64xf32> to vector<2048xf32>
    %broadcast_in_dim3A_80 = vector.shape_cast %reduce_sum3A_79 : vector<2048xf32> to vector<2048x1xf32>
    %reduce_sum3A_81 = arith.constant dense<0.000000e+00> : vector<64xf32>
    %reduce_sum3A_82 = vector.multi_reduction <add>, %convert_element_type3A_56, %reduce_sum3A_81 [0] : vector<2048x64xf32> to vector<64xf32>
    %broadcast_in_dim3A_83 = vector.shape_cast %reduce_sum3A_82 : vector<64xf32> to vector<1x64xf32>
    %add3A_84 = arith.addf %broadcast_in_dim3A_66, %broadcast_in_dim3A_83 : vector<1x64xf32>
    %add3A_85 = arith.constant 1.270000e+02 : f32
    %add3A_86 = vector.broadcast %add3A_85 : f32 to vector<1x64xf32>
    %add3A_87 = arith.addf %add3A_84, %add3A_86 : vector<1x64xf32>
    %mul3A = arith.constant 7.812500e-03 : f32
    %mul3A_88 = vector.broadcast %mul3A : f32 to vector<1x64xf32>
    %mul3A_89 = arith.mulf %add3A_87, %mul3A_88 : vector<1x64xf32>
    %floor3A = math.floor %mul3A_89 : vector<1x64xf32>
    %iota3A_90 = tpu.iota {dimensions = array<i32: 0>} : vector<64x64xi32>
    %iota3A_91 = tpu.iota {dimensions = array<i32: 1>} : vector<64x64xi32>
    %le3A = arith.cmpi sle, %iota3A_90, %iota3A_91 : vector<64x64xi32>
    %convert_element_type3A_92 = arith.extui %le3A : vector<64x64xi1> to vector<64x64xi32>
    %convert_element_type3A_93 = arith.sitofp %convert_element_type3A_92 : vector<64x64xi32> to vector<64x64xf32>
    %dot_general3A_94 = arith.constant dense<0.000000e+00> : vector<1x64xf32>
    %dot_general3A_95 = tpu.matmul %floor3A, %convert_element_type3A_93, %dot_general3A_94 {dimension_numbers = #tpu.dot_dimension_numbers<[1], [0], [0], [1], [0, 0, 1, 1], [], []>, transpose_lhs_hint = false} : vector<1x64xf32>, vector<64x64xf32>, vector<1x64xf32> -> vector<1x64xf32>
    %sub3A_96 = arith.subf %dot_general3A_95, %floor3A : vector<1x64xf32>
    %mul3A_97 = arith.constant 1.280000e+02 : f32
    %mul3A_98 = vector.broadcast %mul3A_97 : f32 to vector<1x64xf32>
    %mul3A_99 = arith.mulf %sub3A_96, %mul3A_98 : vector<1x64xf32>
    %jit3A_100 = arith.constant 0.000000e+00 : f32
    %broadcast_in_dim3A_101 = vector.shape_cast %mul3A_99 : vector<1x64xf32> to vector<1x64xf32>
    %broadcast_in_dim3A_102 = vector.broadcast %broadcast_in_dim3A_101 : vector<1x64xf32> to vector<2048x64xf32>
    %broadcast_in_dim3A_103 = vector.broadcast %jit3A_100 : f32 to vector<2048x64xf32>
    %select_n3A_104 = arith.select %eq3A_22, %broadcast_in_dim3A_102, %broadcast_in_dim3A_103 : vector<2048x64xi1>, vector<2048x64xf32>
    %reduce_sum3A_105 = arith.constant dense<0.000000e+00> : vector<2048xf32>
    %reduce_sum3A_106 = vector.multi_reduction <add>, %select_n3A_104, %reduce_sum3A_105 [1] : vector<2048x64xf32> to vector<2048xf32>
    %broadcast_in_dim3A_107 = vector.shape_cast %reduce_sum3A_106 : vector<2048xf32> to vector<2048x1xf32>
    %add3A_108 = arith.addf %broadcast_in_dim3A_107, %broadcast_in_dim3A_72 : vector<2048x1xf32>
    %jit3A_109 = arith.constant 0.000000e+00 : f32
    %broadcast_in_dim3A_110 = vector.shape_cast %mul3A_99 : vector<1x64xf32> to vector<1x64xf32>
    %broadcast_in_dim3A_111 = vector.broadcast %broadcast_in_dim3A_110 : vector<1x64xf32> to vector<2048x64xf32>
    %broadcast_in_dim3A_112 = vector.broadcast %jit3A_109 : f32 to vector<2048x64xf32>
    %select_n3A_113 = arith.select %eq3A_38, %broadcast_in_dim3A_111, %broadcast_in_dim3A_112 : vector<2048x64xi1>, vector<2048x64xf32>
    %reduce_sum3A_114 = arith.constant dense<0.000000e+00> : vector<2048xf32>
    %reduce_sum3A_115 = vector.multi_reduction <add>, %select_n3A_113, %reduce_sum3A_114 [1] : vector<2048x64xf32> to vector<2048xf32>
    %broadcast_in_dim3A_116 = vector.shape_cast %reduce_sum3A_115 : vector<2048xf32> to vector<2048x1xf32>
    %add3A_117 = arith.addf %broadcast_in_dim3A_116, %broadcast_in_dim3A_80 : vector<2048x1xf32>
    %convert_element_type3A_118 = arith.fptosi %add3A_108 : vector<2048x1xf32> to vector<2048x1xi32>
    %swap3A_119 = arith.constant 0 : index
    %swap3A_120 = arith.constant 0 : index
    %swap3A_121 = vector.load %arg3[%swap3A_119, %swap3A_120] : memref<2048x1xi32, #tpu.memory_space<vmem>>, vector<2048x1xi32>
    tpu.vector_store %arg3[%swap3A_119, %swap3A_120], %convert_element_type3A_118 {strides = array<i32>} : memref<2048x1xi32, #tpu.memory_space<vmem>>, vector<2048x1xi32>,
    %convert_element_type3A_122 = arith.fptosi %add3A_117 : vector<2048x1xf32> to vector<2048x1xi32>
    %swap3A_123 = arith.constant 0 : index
    %swap3A_124 = arith.constant 0 : index
    %swap3A_125 = vector.load %arg4[%swap3A_123, %swap3A_124] : memref<2048x1xi32, #tpu.memory_space<vmem>>, vector<2048x1xi32>
    tpu.vector_store %arg4[%swap3A_123, %swap3A_124], %convert_element_type3A_122 {strides = array<i32>} : memref<2048x1xi32, #tpu.memory_space<vmem>>, vector<2048x1xi32>,
    %iota3A_126 = tpu.iota {dimensions = array<i32: 0>} : vector<96x1xi32>
    %convert_element_type3A_127 = arith.sitofp %iota3A_126 : vector<96x1xi32> to vector<96x1xf32>
    %reduce_sum3A_128 = vector.shape_cast %floor3A : vector<1x64xf32> to vector<1x1x64xf32>
    %reduce_sum3A_129 = arith.constant dense<0.000000e+00> : vector<1xf32>
    %reduce_sum3A_130 = vector.multi_reduction <add>, %reduce_sum3A_128, %reduce_sum3A_129 [1, 2] : vector<1x1x64xf32> to vector<1xf32>
    %reduce_sum3A_131 = vector.shape_cast %reduce_sum3A_130 : vector<1xf32> to vector<1x1x1xf32>
    %reduce_sum3A_132 = vector.extract %reduce_sum3A_131[0, 0, 0] : f32 from vector<1x1x1xf32>
    %broadcast_in_dim3A_133 = vector.shape_cast %dot_general3A_95 : vector<1x64xf32> to vector<1x64xf32>
    %broadcast_in_dim3A_134 = vector.broadcast %broadcast_in_dim3A_133 : vector<1x64xf32> to vector<96x64xf32>
    %le3A_135 = vector.broadcast %convert_element_type3A_127 : vector<96x1xf32> to vector<96x64xf32>
    %le3A_136 = arith.cmpf ole, %broadcast_in_dim3A_134, %le3A_135 : vector<96x64xf32>
    %convert_element_type3A_137 = arith.extui %le3A_136 : vector<96x64xi1> to vector<96x64xi32>
    %convert_element_type3A_138 = arith.sitofp %convert_element_type3A_137 : vector<96x64xi32> to vector<96x64xf32>
    %reduce_sum3A_139 = arith.constant dense<0.000000e+00> : vector<96xf32>
    %reduce_sum3A_140 = vector.multi_reduction <add>, %convert_element_type3A_138, %reduce_sum3A_139 [1] : vector<96x64xf32> to vector<96xf32>
    %broadcast_in_dim3A_141 = vector.shape_cast %reduce_sum3A_140 : vector<96xf32> to vector<96x1xf32>
    %sub3A_142 = arith.constant 1.000000e+00 : f32
    %sub3A_143 = arith.subf %reduce_sum3A_132, %sub3A_142 : f32
    %eq3A_144 = vector.broadcast %sub3A_143 : f32 to vector<96x1xf32>
    %eq3A_145 = arith.cmpf oeq, %convert_element_type3A_127, %eq3A_144 : vector<96x1xf32>
    %jit3A_146 = arith.constant 0.000000e+00 : f32
    %broadcast_in_dim3A_147 = vector.broadcast %jit3A_146 : f32 to vector<96x1xf32>
    %select_n3A_148 = arith.select %eq3A_145, %broadcast_in_dim3A_141, %broadcast_in_dim3A_147 : vector<96x1xi1>, vector<96x1xf32>
    %reduce_sum3A_149 = vector.shape_cast %select_n3A_148 : vector<96x1xf32> to vector<1x96x1xf32>
    %reduce_sum3A_150 = arith.constant dense<0.000000e+00> : vector<1xf32>
    %reduce_sum3A_151 = vector.multi_reduction <add>, %reduce_sum3A_149, %reduce_sum3A_150 [1, 2] : vector<1x96x1xf32> to vector<1xf32>
    %reduce_sum3A_152 = vector.shape_cast %reduce_sum3A_151 : vector<1xf32> to vector<1x1x1xf32>
    %reduce_sum3A_153 = vector.extract %reduce_sum3A_152[0, 0, 0] : f32 from vector<1x1x1xf32>
    %lt3A_154 = vector.broadcast %reduce_sum3A_132 : f32 to vector<96x1xf32>
    %lt3A_155 = arith.cmpf olt, %convert_element_type3A_127, %lt3A_154 : vector<96x1xf32>
    %broadcast_in_dim3A_156 = vector.broadcast %reduce_sum3A_153 : f32 to vector<96x1xf32>
    %select_n3A_157 = arith.select %lt3A_155, %broadcast_in_dim3A_141, %broadcast_in_dim3A_156 : vector<96x1xi1>, vector<96x1xf32>
    %convert_element_type3A_158 = arith.fptosi %select_n3A_157 : vector<96x1xf32> to vector<96x1xi32>
    %swap3A_159 = arith.constant 0 : index
    %swap3A_160 = arith.constant 0 : index
    %swap3A_161 = vector.load %arg7[%swap3A_159, %swap3A_160] : memref<96x1xi32, #tpu.memory_space<vmem>>, vector<96x1xi32>
    tpu.vector_store %arg7[%swap3A_159, %swap3A_160], %convert_element_type3A_158 {strides = array<i32>} : memref<96x1xi32, #tpu.memory_space<vmem>>, vector<96x1xi32>,
    %convert_element_type3A_162 = arith.fptosi %reduce_sum3A_132 : f32 to i32
    %swap3A_163 = arith.constant 0 : index
    %swap3A_164 = arith.constant 0 : index
    %swap3A_165 = memref.load %arg8[%swap3A_163, %swap3A_164] : memref<1x1xi32, #tpu.memory_space<smem>>
    memref.store %convert_element_type3A_162, %arg8[%swap3A_163, %swap3A_164] : memref<1x1xi32, #tpu.memory_space<smem>>
    %jit3A_166 = arith.constant 0.000000e+00 : f32
    %broadcast_in_dim3A_167 = vector.shape_cast %div3A_42 : vector<2048x1xf32> to vector<2048x1xf32>
    %broadcast_in_dim3A_168 = vector.broadcast %broadcast_in_dim3A_167 : vector<2048x1xf32> to vector<2048x64xf32>
    %broadcast_in_dim3A_169 = vector.broadcast %jit3A_166 : f32 to vector<2048x64xf32>
    %select_n3A_170 = arith.select %eq3A_22, %broadcast_in_dim3A_168, %broadcast_in_dim3A_169 : vector<2048x64xi1>, vector<2048x64xf32>
    %jit3A_171 = arith.constant 0.000000e+00 : f32
    %broadcast_in_dim3A_172 = vector.shape_cast %div3A_46 : vector<2048x1xf32> to vector<2048x1xf32>
    %broadcast_in_dim3A_173 = vector.broadcast %broadcast_in_dim3A_172 : vector<2048x1xf32> to vector<2048x64xf32>
    %broadcast_in_dim3A_174 = vector.broadcast %jit3A_171 : f32 to vector<2048x64xf32>
    %select_n3A_175 = arith.select %eq3A_38, %broadcast_in_dim3A_173, %broadcast_in_dim3A_174 : vector<2048x64xi1>, vector<2048x64xf32>
    %add3A_176 = arith.addf %select_n3A_170, %select_n3A_175 : vector<2048x64xf32>
    %reduce_sum3A_177 = arith.constant dense<0.000000e+00> : vector<64xf32>
    %reduce_sum3A_178 = vector.multi_reduction <add>, %add3A_176, %reduce_sum3A_177 [0] : vector<2048x64xf32> to vector<64xf32>
    %gt3A = arith.constant 0.000000e+00 : f32
    %gt3A_179 = vector.broadcast %gt3A : f32 to vector<2048x64xf32>
    %gt3A_180 = arith.cmpf ogt, %add3A_176, %gt3A_179 : vector<2048x64xf32>
    %convert_element_type3A_181 = arith.extui %gt3A_180 : vector<2048x64xi1> to vector<2048x64xi32>
    %convert_element_type3A_182 = arith.sitofp %convert_element_type3A_181 : vector<2048x64xi32> to vector<2048x64xf32>
    %reduce_sum3A_183 = arith.constant dense<0.000000e+00> : vector<64xf32>
    %reduce_sum3A_184 = vector.multi_reduction <add>, %convert_element_type3A_182, %reduce_sum3A_183 [0] : vector<2048x64xf32> to vector<64xf32>
    %reduce_sum3A_185 = vector.shape_cast %reduce_sum3A_178 : vector<64xf32> to vector<1x64xf32>
    %reduce_sum3A_186 = arith.constant dense<0.000000e+00> : vector<1xf32>
    %reduce_sum3A_187 = vector.multi_reduction <add>, %reduce_sum3A_185, %reduce_sum3A_186 [1] : vector<1x64xf32> to vector<1xf32>
    %reduce_sum3A_188 = vector.shape_cast %reduce_sum3A_187 : vector<1xf32> to vector<1x1xf32>
    %reduce_sum3A_189 = vector.extract %reduce_sum3A_188[0, 0] : f32 from vector<1x1xf32>
    %div3A_190 = arith.constant 6.400000e+01 : f32
    %div3A_191 = arith.divf %reduce_sum3A_189, %div3A_190 : f32
    %sub3A_192 = vector.broadcast %div3A_191 : f32 to vector<64xf32>
    %sub3A_193 = arith.subf %reduce_sum3A_178, %sub3A_192 : vector<64xf32>
    %integer_pow3A = arith.mulf %sub3A_193, %sub3A_193 : vector<64xf32>
    %reduce_sum3A_194 = vector.shape_cast %integer_pow3A : vector<64xf32> to vector<1x64xf32>
    %reduce_sum3A_195 = arith.constant dense<0.000000e+00> : vector<1xf32>
    %reduce_sum3A_196 = vector.multi_reduction <add>, %reduce_sum3A_194, %reduce_sum3A_195 [1] : vector<1x64xf32> to vector<1xf32>
    %reduce_sum3A_197 = vector.shape_cast %reduce_sum3A_196 : vector<1xf32> to vector<1x1xf32>
    %reduce_sum3A_198 = vector.extract %reduce_sum3A_197[0, 0] : f32 from vector<1x1xf32>
    %div3A_199 = arith.constant 6.300000e+01 : f32
    %div3A_200 = arith.divf %reduce_sum3A_198, %div3A_199 : f32
    %mul3A_201 = arith.mulf %div3A_191, %div3A_191 : f32
    %add3A_202 = arith.constant 1.000000e-10 : f32
    %add3A_203 = arith.addf %mul3A_201, %add3A_202 : f32
    %div3A_204 = arith.divf %div3A_200, %add3A_203 : f32
    %reduce_sum3A_205 = vector.shape_cast %reduce_sum3A_184 : vector<64xf32> to vector<1x64xf32>
    %reduce_sum3A_206 = arith.constant dense<0.000000e+00> : vector<1xf32>
    %reduce_sum3A_207 = vector.multi_reduction <add>, %reduce_sum3A_205, %reduce_sum3A_206 [1] : vector<1x64xf32> to vector<1xf32>
    %reduce_sum3A_208 = vector.shape_cast %reduce_sum3A_207 : vector<1xf32> to vector<1x1xf32>
    %reduce_sum3A_209 = vector.extract %reduce_sum3A_208[0, 0] : f32 from vector<1x1xf32>
    %div3A_210 = arith.constant 6.400000e+01 : f32
    %div3A_211 = arith.divf %reduce_sum3A_209, %div3A_210 : f32
    %sub3A_212 = vector.broadcast %div3A_211 : f32 to vector<64xf32>
    %sub3A_213 = arith.subf %reduce_sum3A_184, %sub3A_212 : vector<64xf32>
    %integer_pow3A_214 = arith.mulf %sub3A_213, %sub3A_213 : vector<64xf32>
    %reduce_sum3A_215 = vector.shape_cast %integer_pow3A_214 : vector<64xf32> to vector<1x64xf32>
    %reduce_sum3A_216 = arith.constant dense<0.000000e+00> : vector<1xf32>
    %reduce_sum3A_217 = vector.multi_reduction <add>, %reduce_sum3A_215, %reduce_sum3A_216 [1] : vector<1x64xf32> to vector<1xf32>
    %reduce_sum3A_218 = vector.shape_cast %reduce_sum3A_217 : vector<1xf32> to vector<1x1xf32>
    %reduce_sum3A_219 = vector.extract %reduce_sum3A_218[0, 0] : f32 from vector<1x1xf32>
    %div3A_220 = arith.constant 6.300000e+01 : f32
    %div3A_221 = arith.divf %reduce_sum3A_219, %div3A_220 : f32
    %mul3A_222 = arith.mulf %div3A_211, %div3A_211 : f32
    %add3A_223 = arith.constant 1.000000e-10 : f32
    %add3A_224 = arith.addf %mul3A_222, %add3A_223 : f32
    %div3A_225 = arith.divf %div3A_221, %add3A_224 : f32
    %add3A_226 = arith.addf %div3A_204, %div3A_225 : f32
    %mul3A_227 = arith.constant 0.00999999977 : f32
    %mul3A_228 = arith.mulf %add3A_226, %mul3A_227 : f32
    %swap3A_229 = arith.constant 0 : index
    %swap3A_230 = arith.constant 0 : index
    %swap3A_231 = memref.load %arg9[%swap3A_229, %swap3A_230] : memref<1x1xf32, #tpu.memory_space<smem>>
    memref.store %mul3A_228, %arg9[%swap3A_229, %swap3A_230] : memref<1x1xf32, #tpu.memory_space<smem>>
    return
  }
}

module attributes {stable_mosaic.version = 14 : i64} {
  func.func @_gmm_kernel(%arg0: i32, %arg1: memref<96xi32, #tpu.memory_space<smem>>, %arg2: memref<1xi32, #tpu.memory_space<smem>>, %arg3: memref<128x384xf32, #tpu.memory_space<vmem>>, %arg4: memref<1x128x1xi32, #tpu.memory_space<vmem>>, %arg5: memref<1x128x1xf32, #tpu.memory_space<vmem>>, %arg6: memref<1x768x1536xf32, #tpu.memory_space<vmem>>, %arg7: memref<1x1x1536xf32, #tpu.memory_space<vmem>>, %arg8: memref<1x1536x768xf32, #tpu.memory_space<vmem>>, %arg9: memref<1x1x768xf32, #tpu.memory_space<vmem>>, %arg10: memref<1x768x64xf32, #tpu.memory_space<vmem>>, %arg11: memref<1x64x1536xf32, #tpu.memory_space<vmem>>, %arg12: memref<1x1536x64xf32, #tpu.memory_space<vmem>>, %arg13: memref<1x64x768xf32, #tpu.memory_space<vmem>>, %arg14: memref<128x768xf32, #tpu.memory_space<vmem>>) attributes {dimension_semantics = [#tpu.dimension_semantics<arbitrary>], iteration_bounds = array<i64: 96>, scalar_prefetch = 2 : i64, scratch_operands = 0 : i64, tpu.core_type = #tpu.core_type<tc>, window_params = [{transform_indices = @transform_0, window_bounds = array<i64: 128, 384>}, {transform_indices = @transform_1, window_bounds = array<i64: 1, 128, 1>}, {transform_indices = @transform_2, window_bounds = array<i64: 1, 128, 1>}, {transform_indices = @transform_3, window_bounds = array<i64: 1, 768, 1536>}, {transform_indices = @transform_4, window_bounds = array<i64: 1, 1, 1536>}, {transform_indices = @transform_5, window_bounds = array<i64: 1, 1536, 768>}, {transform_indices = @transform_6, window_bounds = array<i64: 1, 1, 768>}, {transform_indices = @transform_7, window_bounds = array<i64: 1, 768, 64>}, {transform_indices = @transform_8, window_bounds = array<i64: 1, 64, 1536>}, {transform_indices = @transform_9, window_bounds = array<i64: 1, 1536, 64>}, {transform_indices = @transform_10, window_bounds = array<i64: 1, 64, 768>}, {transform_indices = @transform_11, window_bounds = array<i64: 128, 768>}]} {
    %get3A = arith.constant 0 : index
    %get3A_0 = memref.load %arg2[%get3A] : memref<1xi32, #tpu.memory_space<smem>>
    %lt3A = arith.cmpi slt, %arg0, %get3A_0 : i32
    %convert_element_type3A = arith.extui %lt3A : i1 to i32
    %cond3A = arith.constant 0 : i32
    %cond3A_1 = arith.cmpi ne, %convert_element_type3A, %cond3A : i32
    scf.if %cond3A_1 {
      %get3A_2 = arith.constant 0 : index
      %get3A_3 = arith.constant 0 : index
      %get3A_4 = vector.load %arg3[%get3A_2, %get3A_3] : memref<128x384xf32, #tpu.memory_space<vmem>>, vector<128x384xf32>
      %bitcast_convert_type3A = tpu.bitcast %get3A_4 : vector<128x384xf32> -> vector<128x384xi32>
      %shift_left3A = arith.constant 16 : i32
      %shift_left3A_5 = vector.broadcast %shift_left3A : i32 to vector<128x384xi32>
      %shift_left3A_6 = arith.shli %bitcast_convert_type3A, %shift_left3A_5 : vector<128x384xi32>
      %bitcast_convert_type3A_7 = tpu.bitcast %shift_left3A_6 : vector<128x384xi32> -> vector<128x384xf32>
      %shift_right_logical3A = arith.constant 16 : i32
      %shift_right_logical3A_8 = vector.broadcast %shift_right_logical3A : i32 to vector<128x384xi32>
      %shift_right_logical3A_9 = arith.shrui %bitcast_convert_type3A, %shift_right_logical3A_8 : vector<128x384xi32>
      %shift_left3A_10 = arith.constant 16 : i32
      %shift_left3A_11 = vector.broadcast %shift_left3A_10 : i32 to vector<128x384xi32>
      %shift_left3A_12 = arith.shli %shift_right_logical3A_9, %shift_left3A_11 : vector<128x384xi32>
      %bitcast_convert_type3A_13 = tpu.bitcast %shift_left3A_12 : vector<128x384xi32> -> vector<128x384xf32>
      %concatenate3A = tpu.concatenate %bitcast_convert_type3A_7, %bitcast_convert_type3A_13 in 1 : vector<128x384xf32>, vector<128x384xf32> -> vector<128x768xf32>
      %get3A_14 = arith.constant 0 : index
      %get3A_15 = arith.constant 0 : index
      %get3A_16 = arith.constant 0 : index
      %get3A_17 = vector.load %arg4[%get3A_14, %get3A_15, %get3A_16] : memref<1x128x1xi32, #tpu.memory_space<vmem>>, vector<1x128x1xi32>
      %get3A_18 = vector.shape_cast %get3A_17 : vector<1x128x1xi32> to vector<128x1xi32>
      %iota3A = tpu.iota {dimensions = array<i32: 1>} : vector<128x64xi32>
      %div3A = arith.constant 8 : i32
      %div3A_19 = vector.broadcast %div3A : i32 to vector<128x64xi32>
      %div3A_20 = arith.divsi %iota3A, %div3A_19 : vector<128x64xi32>
      %eq3A = vector.broadcast %get3A_18 : vector<128x1xi32> to vector<128x64xi32>
      %eq3A_21 = arith.cmpi eq, %div3A_20, %eq3A : vector<128x64xi32>
      %convert_element_type3A_22 = arith.extui %eq3A_21 : vector<128x64xi1> to vector<128x64xi32>
      %convert_element_type3A_23 = arith.sitofp %convert_element_type3A_22 : vector<128x64xi32> to vector<128x64xf32>
      %get3A_24 = arith.constant 0 : index
      %get3A_25 = arith.constant 0 : index
      %get3A_26 = arith.constant 0 : index
      %get3A_27 = vector.load %arg10[%get3A_24, %get3A_25, %get3A_26] : memref<1x768x64xf32, #tpu.memory_space<vmem>>, vector<1x768x64xf32>
      %get3A_28 = vector.shape_cast %get3A_27 : vector<1x768x64xf32> to vector<768x64xf32>
      %dot_general3A = arith.constant dense<0.000000e+00> : vector<128x64xf32>
      %dot_general3A_29 = tpu.matmul %concatenate3A, %get3A_28, %dot_general3A {dimension_numbers = #tpu.dot_dimension_numbers<[1], [0], [0], [1], [0, 0, 1, 1], [], []>, transpose_lhs_hint = false} : vector<128x768xf32>, vector<768x64xf32>, vector<128x64xf32> -> vector<128x64xf32>
      %mul3A = arith.mulf %dot_general3A_29, %convert_element_type3A_23 : vector<128x64xf32>
      %get3A_30 = arith.constant 0 : index
      %get3A_31 = arith.constant 0 : index
      %get3A_32 = arith.constant 0 : index
      %get3A_33 = vector.load %arg11[%get3A_30, %get3A_31, %get3A_32] : memref<1x64x1536xf32, #tpu.memory_space<vmem>>, vector<1x64x1536xf32>
      %get3A_34 = vector.shape_cast %get3A_33 : vector<1x64x1536xf32> to vector<64x1536xf32>
      %dot_general3A_35 = arith.constant dense<0.000000e+00> : vector<128x1536xf32>
      %dot_general3A_36 = tpu.matmul %mul3A, %get3A_34, %dot_general3A_35 {dimension_numbers = #tpu.dot_dimension_numbers<[1], [0], [0], [1], [0, 0, 1, 1], [], []>, transpose_lhs_hint = false} : vector<128x64xf32>, vector<64x1536xf32>, vector<128x1536xf32> -> vector<128x1536xf32>
      %get3A_37 = arith.constant 0 : index
      %get3A_38 = arith.constant 0 : index
      %get3A_39 = arith.constant 0 : index
      %get3A_40 = vector.load %arg6[%get3A_37, %get3A_38, %get3A_39] : memref<1x768x1536xf32, #tpu.memory_space<vmem>>, vector<1x768x1536xf32>
      %get3A_41 = vector.shape_cast %get3A_40 : vector<1x768x1536xf32> to vector<768x1536xf32>
      %dot_general3A_42 = arith.constant dense<0.000000e+00> : vector<128x1536xf32>
      %dot_general3A_43 = tpu.matmul %concatenate3A, %get3A_41, %dot_general3A_42 {dimension_numbers = #tpu.dot_dimension_numbers<[1], [0], [0], [1], [0, 0, 1, 1], [], []>, transpose_lhs_hint = false} : vector<128x768xf32>, vector<768x1536xf32>, vector<128x1536xf32> -> vector<128x1536xf32>
      %get3A_44 = arith.constant 0 : index
      %get3A_45 = arith.constant 0 : index
      %get3A_46 = arith.constant 0 : index
      %get3A_47 = vector.load %arg7[%get3A_44, %get3A_45, %get3A_46] : memref<1x1x1536xf32, #tpu.memory_space<vmem>>, vector<1x1x1536xf32>
      %get3A_48 = vector.shape_cast %get3A_47 : vector<1x1x1536xf32> to vector<1x1536xf32>
      %add3A = vector.broadcast %get3A_48 : vector<1x1536xf32> to vector<128x1536xf32>
      %add3A_49 = arith.addf %dot_general3A_43, %add3A : vector<128x1536xf32>
      %mul3A_50 = arith.constant 2.000000e+00 : f32
      %mul3A_51 = vector.broadcast %mul3A_50 : f32 to vector<128x1536xf32>
      %mul3A_52 = arith.mulf %dot_general3A_36, %mul3A_51 : vector<128x1536xf32>
      %add3A_53 = arith.addf %add3A_49, %mul3A_52 : vector<128x1536xf32>
      %mul3A_54 = arith.constant 5.000000e-01 : f32
      %mul3A_55 = vector.broadcast %mul3A_54 : f32 to vector<128x1536xf32>
      %mul3A_56 = arith.mulf %add3A_53, %mul3A_55 : vector<128x1536xf32>
      %mul3A_57 = arith.constant 0.707106769 : f32
      %mul3A_58 = vector.broadcast %mul3A_57 : f32 to vector<128x1536xf32>
      %mul3A_59 = arith.mulf %add3A_53, %mul3A_58 : vector<128x1536xf32>
      %erf3A = math.erf %mul3A_59 : vector<128x1536xf32>
      %add3A_60 = arith.constant 1.000000e+00 : f32
      %add3A_61 = vector.broadcast %add3A_60 : f32 to vector<128x1536xf32>
      %add3A_62 = arith.addf %add3A_61, %erf3A : vector<128x1536xf32>
      %mul3A_63 = arith.mulf %mul3A_56, %add3A_62 : vector<128x1536xf32>
      %get3A_64 = arith.constant 0 : index
      %get3A_65 = arith.constant 0 : index
      %get3A_66 = arith.constant 0 : index
      %get3A_67 = vector.load %arg12[%get3A_64, %get3A_65, %get3A_66] : memref<1x1536x64xf32, #tpu.memory_space<vmem>>, vector<1x1536x64xf32>
      %get3A_68 = vector.shape_cast %get3A_67 : vector<1x1536x64xf32> to vector<1536x64xf32>
      %dot_general3A_69 = arith.constant dense<0.000000e+00> : vector<128x64xf32>
      %dot_general3A_70 = tpu.matmul %mul3A_63, %get3A_68, %dot_general3A_69 {dimension_numbers = #tpu.dot_dimension_numbers<[1], [0], [0], [1], [0, 0, 1, 1], [], []>, transpose_lhs_hint = false} : vector<128x1536xf32>, vector<1536x64xf32>, vector<128x64xf32> -> vector<128x64xf32>
      %mul3A_71 = arith.mulf %dot_general3A_70, %convert_element_type3A_23 : vector<128x64xf32>
      %get3A_72 = arith.constant 0 : index
      %get3A_73 = arith.constant 0 : index
      %get3A_74 = arith.constant 0 : index
      %get3A_75 = vector.load %arg13[%get3A_72, %get3A_73, %get3A_74] : memref<1x64x768xf32, #tpu.memory_space<vmem>>, vector<1x64x768xf32>
      %get3A_76 = vector.shape_cast %get3A_75 : vector<1x64x768xf32> to vector<64x768xf32>
      %dot_general3A_77 = arith.constant dense<0.000000e+00> : vector<128x768xf32>
      %dot_general3A_78 = tpu.matmul %mul3A_71, %get3A_76, %dot_general3A_77 {dimension_numbers = #tpu.dot_dimension_numbers<[1], [0], [0], [1], [0, 0, 1, 1], [], []>, transpose_lhs_hint = false} : vector<128x64xf32>, vector<64x768xf32>, vector<128x768xf32> -> vector<128x768xf32>
      %get3A_79 = arith.constant 0 : index
      %get3A_80 = arith.constant 0 : index
      %get3A_81 = arith.constant 0 : index
      %get3A_82 = vector.load %arg8[%get3A_79, %get3A_80, %get3A_81] : memref<1x1536x768xf32, #tpu.memory_space<vmem>>, vector<1x1536x768xf32>
      %get3A_83 = vector.shape_cast %get3A_82 : vector<1x1536x768xf32> to vector<1536x768xf32>
      %dot_general3A_84 = arith.constant dense<0.000000e+00> : vector<128x768xf32>
      %dot_general3A_85 = tpu.matmul %mul3A_63, %get3A_83, %dot_general3A_84 {dimension_numbers = #tpu.dot_dimension_numbers<[1], [0], [0], [1], [0, 0, 1, 1], [], []>, transpose_lhs_hint = false} : vector<128x1536xf32>, vector<1536x768xf32>, vector<128x768xf32> -> vector<128x768xf32>
      %get3A_86 = arith.constant 0 : index
      %get3A_87 = arith.constant 0 : index
      %get3A_88 = arith.constant 0 : index
      %get3A_89 = vector.load %arg9[%get3A_86, %get3A_87, %get3A_88] : memref<1x1x768xf32, #tpu.memory_space<vmem>>, vector<1x1x768xf32>
      %get3A_90 = vector.shape_cast %get3A_89 : vector<1x1x768xf32> to vector<1x768xf32>
      %add3A_91 = vector.broadcast %get3A_90 : vector<1x768xf32> to vector<128x768xf32>
      %add3A_92 = arith.addf %dot_general3A_85, %add3A_91 : vector<128x768xf32>
      %mul3A_93 = arith.constant 2.000000e+00 : f32
      %mul3A_94 = vector.broadcast %mul3A_93 : f32 to vector<128x768xf32>
      %mul3A_95 = arith.mulf %dot_general3A_78, %mul3A_94 : vector<128x768xf32>
      %add3A_96 = arith.addf %add3A_92, %mul3A_95 : vector<128x768xf32>
      %get3A_97 = arith.constant 0 : index
      %get3A_98 = arith.constant 0 : index
      %get3A_99 = arith.constant 0 : index
      %get3A_100 = vector.load %arg5[%get3A_97, %get3A_98, %get3A_99] : memref<1x128x1xf32, #tpu.memory_space<vmem>>, vector<1x128x1xf32>
      %get3A_101 = vector.shape_cast %get3A_100 : vector<1x128x1xf32> to vector<128x1xf32>
      %mul3A_102 = vector.broadcast %get3A_101 : vector<128x1xf32> to vector<128x768xf32>
      %mul3A_103 = arith.mulf %add3A_96, %mul3A_102 : vector<128x768xf32>
      %swap3A = arith.constant 0 : index
      %swap3A_104 = arith.constant 0 : index
      %swap3A_105 = vector.load %arg14[%swap3A, %swap3A_104] : memref<128x768xf32, #tpu.memory_space<vmem>>, vector<128x768xf32>
      tpu.vector_store %arg14[%swap3A, %swap3A_104], %mul3A_103 {strides = array<i32>} : memref<128x768xf32, #tpu.memory_space<vmem>>, vector<128x768xf32>,
    } else {
    }
    return
  }
  func.func @transform_0(%arg0: i32, %arg1: memref<96xi32, #tpu.memory_space<smem>>, %arg2: memref<1xi32, #tpu.memory_space<smem>>) -> (i32, i32) {
    %c0_i32 = arith.constant 0 : i32
    %c0_i32_0 = arith.constant 0 : i32
    return %arg0, %c0_i32 : i32, i32
  }
  func.func @transform_1(%arg0: i32, %arg1: memref<96xi32, #tpu.memory_space<smem>>, %arg2: memref<1xi32, #tpu.memory_space<smem>>) -> (i32, i32, i32) {
    %c0_i32 = arith.constant 0 : i32
    %c0_i32_0 = arith.constant 0 : i32
    %c0_i32_1 = arith.constant 0 : i32
    return %arg0, %c0_i32, %c0_i32_0 : i32, i32, i32
  }
  func.func @transform_2(%arg0: i32, %arg1: memref<96xi32, #tpu.memory_space<smem>>, %arg2: memref<1xi32, #tpu.memory_space<smem>>) -> (i32, i32, i32) {
    %c0_i32 = arith.constant 0 : i32
    %c0_i32_0 = arith.constant 0 : i32
    %c0_i32_1 = arith.constant 0 : i32
    return %arg0, %c0_i32, %c0_i32_0 : i32, i32, i32
  }
  func.func @transform_3(%arg0: i32, %arg1: memref<96xi32, #tpu.memory_space<smem>>, %arg2: memref<1xi32, #tpu.memory_space<smem>>) -> (i32, i32, i32) {
    %get3A = arith.index_cast %arg0 : i32 to index
    %get3A_0 = memref.load %arg1[%get3A] : memref<96xi32, #tpu.memory_space<smem>>
    %c0_i32 = arith.constant 0 : i32
    %c0_i32_1 = arith.constant 0 : i32
    %c0_i32_2 = arith.constant 0 : i32
    return %get3A_0, %c0_i32, %c0_i32_1 : i32, i32, i32
  }
  func.func @transform_4(%arg0: i32, %arg1: memref<96xi32, #tpu.memory_space<smem>>, %arg2: memref<1xi32, #tpu.memory_space<smem>>) -> (i32, i32, i32) {
    %get3A = arith.index_cast %arg0 : i32 to index
    %get3A_0 = memref.load %arg1[%get3A] : memref<96xi32, #tpu.memory_space<smem>>
    %c0_i32 = arith.constant 0 : i32
    %c0_i32_1 = arith.constant 0 : i32
    %c0_i32_2 = arith.constant 0 : i32
    return %get3A_0, %c0_i32, %c0_i32_1 : i32, i32, i32
  }
  func.func @transform_5(%arg0: i32, %arg1: memref<96xi32, #tpu.memory_space<smem>>, %arg2: memref<1xi32, #tpu.memory_space<smem>>) -> (i32, i32, i32) {
    %get3A = arith.index_cast %arg0 : i32 to index
    %get3A_0 = memref.load %arg1[%get3A] : memref<96xi32, #tpu.memory_space<smem>>
    %c0_i32 = arith.constant 0 : i32
    %c0_i32_1 = arith.constant 0 : i32
    %c0_i32_2 = arith.constant 0 : i32
    return %get3A_0, %c0_i32, %c0_i32_1 : i32, i32, i32
  }
  func.func @transform_6(%arg0: i32, %arg1: memref<96xi32, #tpu.memory_space<smem>>, %arg2: memref<1xi32, #tpu.memory_space<smem>>) -> (i32, i32, i32) {
    %get3A = arith.index_cast %arg0 : i32 to index
    %get3A_0 = memref.load %arg1[%get3A] : memref<96xi32, #tpu.memory_space<smem>>
    %c0_i32 = arith.constant 0 : i32
    %c0_i32_1 = arith.constant 0 : i32
    %c0_i32_2 = arith.constant 0 : i32
    return %get3A_0, %c0_i32, %c0_i32_1 : i32, i32, i32
  }
  func.func @transform_7(%arg0: i32, %arg1: memref<96xi32, #tpu.memory_space<smem>>, %arg2: memref<1xi32, #tpu.memory_space<smem>>) -> (i32, i32, i32) {
    %get3A = arith.index_cast %arg0 : i32 to index
    %get3A_0 = memref.load %arg1[%get3A] : memref<96xi32, #tpu.memory_space<smem>>
    %c0_i32 = arith.constant 0 : i32
    %c0_i32_1 = arith.constant 0 : i32
    %c0_i32_2 = arith.constant 0 : i32
    return %get3A_0, %c0_i32, %c0_i32_1 : i32, i32, i32
  }
  func.func @transform_8(%arg0: i32, %arg1: memref<96xi32, #tpu.memory_space<smem>>, %arg2: memref<1xi32, #tpu.memory_space<smem>>) -> (i32, i32, i32) {
    %get3A = arith.index_cast %arg0 : i32 to index
    %get3A_0 = memref.load %arg1[%get3A] : memref<96xi32, #tpu.memory_space<smem>>
    %c0_i32 = arith.constant 0 : i32
    %c0_i32_1 = arith.constant 0 : i32
    %c0_i32_2 = arith.constant 0 : i32
    return %get3A_0, %c0_i32, %c0_i32_1 : i32, i32, i32
  }
  func.func @transform_9(%arg0: i32, %arg1: memref<96xi32, #tpu.memory_space<smem>>, %arg2: memref<1xi32, #tpu.memory_space<smem>>) -> (i32, i32, i32) {
    %get3A = arith.index_cast %arg0 : i32 to index
    %get3A_0 = memref.load %arg1[%get3A] : memref<96xi32, #tpu.memory_space<smem>>
    %c0_i32 = arith.constant 0 : i32
    %c0_i32_1 = arith.constant 0 : i32
    %c0_i32_2 = arith.constant 0 : i32
    return %get3A_0, %c0_i32, %c0_i32_1 : i32, i32, i32
  }
  func.func @transform_10(%arg0: i32, %arg1: memref<96xi32, #tpu.memory_space<smem>>, %arg2: memref<1xi32, #tpu.memory_space<smem>>) -> (i32, i32, i32) {
    %get3A = arith.index_cast %arg0 : i32 to index
    %get3A_0 = memref.load %arg1[%get3A] : memref<96xi32, #tpu.memory_space<smem>>
    %c0_i32 = arith.constant 0 : i32
    %c0_i32_1 = arith.constant 0 : i32
    %c0_i32_2 = arith.constant 0 : i32
    return %get3A_0, %c0_i32, %c0_i32_1 : i32, i32, i32
  }
  func.func @transform_11(%arg0: i32, %arg1: memref<96xi32, #tpu.memory_space<smem>>, %arg2: memref<1xi32, #tpu.memory_space<smem>>) -> (i32, i32) {
    %c0_i32 = arith.constant 0 : i32
    %c0_i32_0 = arith.constant 0 : i32
    return %arg0, %c0_i32 : i32, i32
  }
}

</mosaic_0001>

<sc_bundles>
// kernel: kernel.6.cloned.1.call-start
scs
__scs_entry_jumppad:
0x0: {  	(pc) =	sbr.rel $0x88, $3  }
0x1: {  	(tag) =	ssettag $0x0;
	lr =	simm.s32 $0x1  }
0x2: {  	[smem:$0x3F96] =	sst lr;
	_ =	strace $0xD0000000  }
0x3: {  	_ = 	snop  }
0x4: {  	_ = 	snop  }
0x5: {  	_ = 	snop  }
0x6: {  	_ = 	snop  }
0x7: {  	_ = 	snop  }
__scs_overlays_trampoline_lowered:
0x8: {  	[smem:$0x3FA5] =	sst s0  }
0x9: {  	[smem:$0x3FA6] =	sst s1  }
0xa: {  	[smem:$0x3FA7] =	sst s2  }
0xb: {  	[smem:$0x3FA8] =	sst s3  }
0xc: {  	[smem:$0x3FA9] =	sst s4  }
0xd: {  	[smem:$0x3FAA] =	sst s5  }
0xe: {  	[smem:$0x3FAB] =	sst s6  }
0xf: {  	[smem:$0x3FAC] =	sst s7  }
0x10: {  	[smem:$0x3FAD] =	sst s8  }
0x11: {  	[smem:$0x3FAE] =	sst s9;
	s0 =	simm.s32 @!p0 $0x0  }
0x12: {  	s1 =	sld [smem:$0x3F94];
	s0 =	simm.s32 @p0 $0x1  }
0x13: {  	[smem:$0x3FAF] =	sst s0;
	s0 =	simm.s32 @!p1 $0x0  }
0x14: {  	s2 =	sld [smem:$0x3F93];
	s0 =	simm.s32 @p1 $0x1  }
0x15: {  	[smem:$0x3FB0] =	sst s0;
	s0 =	simm.s32 @!p2 $0x0  }
0x16: {  	s3 =	sld [smem:$0x3FDB];
	s0 =	simm.s32 @p2 $0x1  }
0x17: {  	s4 =	simm.s32 $0x1BF5;
	[smem:$0x3FB2] =	sst s0  }
0x18: {  	s0 =	sld [smem:$0x3F95];
	_ =	swait.ge [sflag:s4], $0x0  }
0x19: {  	s7 =	sld [smem:$0x3F96]  }
0x1a: {  	s8 =	sadd.s32 $0xFFFFE003, lr  }
0x1b: {  	s9 =	sadd.s32 $0xFFFFFEF7, lr;
	s5 =	simm.s32 $0xFFFFFFFF;
	p2 =	slt.u32 s8, $0xFFFFF086  }
0x1c: {  	p1 =	slt.u32 s9, $0xF7A;
	s5 =	simm.s32 @!p2 $0x0  }
0x1d: {  	s5 =	simm.s32 @p1 $0x1;
	p0 =	seq.s32 s7, s2  }
0x1e: {  	s7 =	smul.u32 @!p0 $0xF7A, s2;
	p2 =	seq.s32 @!p0 s5, $0x0  }
0x1f: {  	s9 =	smul.u32 $0xF7A, s1;
	s8 =	simm.s32 @!p0 $0x1BF5;
	p2 =	por !p2, p0  }
0x20: {  	[sflag:s8] =	ssyncset.s32 @!p0 $0xFFFFF086;
	s6 =	sadd.s32 @!p0 s3, s7;
	s7 =	simm.s32 @!p0 $0x108  }
0x21: {  	s3 =	sadd.s32 s3, s9;
	s6 =	sadd.s32 @!p0 $0x88, s6;
	s7 =	simm.s32 @p2 $0x1082  }
0x22: {  	[simem:s7], [sflag:s8] =	dma.local @!p0 [hbm:s6], $0xF7A  }
0x23: {  	s9 =	sor.u32 $0xD0000000, s2;
	s6 =	simm.s32 $0x108;
	_ =	swait.ge @!p0 [sflag:s8], $0x0  }
0x24: {  	s3 =	sadd.s32 $0x88, s3;
	s6 =	simm.s32 @!p1 $0x1082;
	[sflag:s4] =	ssyncset.s32 $0xFFFFF086  }
0x25: {  	[simem:s6], [sflag:s4] =	dma.local [hbm:s3], $0xF7A  }
0x26: {  	[smem:$0x3F96] =	sst s1;
	(tag) =	ssettag s2;
	_ =	strace s9  }
0x27: {  	s1 =	sld [smem:$0x3FA6]  }
0x28: {  	s2 =	sld [smem:$0x3FA7]  }
0x29: {  	s4 =	sld [smem:$0x3FA9]  }
0x2a: {  	p0 =	seq.s32 s5, $0x0;
	s5 =	sld [smem:$0x3FAA]  }
0x2b: {  	s6 =	sld [smem:$0x3FAB]  }
0x2c: {  	s7 =	sld [smem:$0x3FAC]  }
0x2d: {  	s3 =	simm.s32 $0x108;
	s8 =	sld [smem:$0x3FAD]  }
0x2e: {  	s3 =	simm.s32 @!p0 $0x1082;
	s9 =	sld [smem:$0x3FAE]  }
0x2f: {  	lr =	sadd.s32 s0, s3;
	s0 =	sld [smem:$0x3FA5]  }
0x30: {  	s3 =	sld [smem:$0x3FA8]  }
0x31: {  	[smem:$0x3FB1] =	sst s10  }
0x32: {  	s10 =	sld [smem:$0x3FAF];
	_ =	sdelay $0x3  }
0x33: {  	p0 =	seq.s32 s10, $0x1;
	s10 =	sld [smem:$0x3FB1];
	_ =	sdelay $0x3  }
0x34: {  	[smem:$0x3FB1] =	sst s10  }
0x35: {  	s10 =	sld [smem:$0x3FB0];
	_ =	sdelay $0x3  }
0x36: {  	p1 =	seq.s32 s10, $0x1;
	s10 =	sld [smem:$0x3FB1];
	_ =	sdelay $0x3  }
0x37: {  	[smem:$0x3FB1] =	sst s10  }
0x38: {  	s10 =	sld [smem:$0x3FB2]  }
0x39: {  	_ = 	snop;
	(pc) =	sbr.ind lr, $3  }
0x3a: {  	_ = 	snop  }
0x3b: {  	_ = 	snop  }
0x3c: {  	p2 =	seq.s32 s10, $0x1;
	s10 =	sld [smem:$0x3FB1]  }
0x3d: {  	_ =	shalt  }
0x3e: {  	_ =	shalt  }
0x3f: {  	_ =	shalt  }
0x40: {  	_ =	shalt  }
0x41: {  	_ =	shalt  }
0x42: {  	_ =	shalt  }
0x43: {  	_ =	shalt  }
0x44: {  	_ =	shalt  }
0x45: {  	_ =	shalt  }
0x46: {  	_ =	shalt  }
0x47: {  	_ =	shalt  }
0x48: {  	_ =	shalt  }
0x49: {  	_ =	shalt  }
0x4a: {  	_ =	shalt  }
0x4b: {  	_ =	shalt  }
0x4c: {  	_ =	shalt  }
0x4d: {  	_ =	shalt  }
0x4e: {  	_ =	shalt  }
0x4f: {  	_ =	shalt  }
0x50: {  	_ =	shalt  }
0x51: {  	_ =	shalt  }
0x52: {  	_ =	shalt  }
0x53: {  	_ =	shalt  }
0x54: {  	_ =	shalt  }
0x55: {  	_ =	shalt  }
0x56: {  	_ =	shalt  }
0x57: {  	_ =	shalt  }
0x58: {  	_ =	shalt  }
0x59: {  	_ =	shalt  }
0x5a: {  	_ =	shalt  }
0x5b: {  	_ =	shalt  }
0x5c: {  	_ =	shalt  }
0x5d: {  	_ =	shalt  }
0x5e: {  	_ =	shalt  }
0x5f: {  	_ =	shalt  }
0x60: {  	_ =	shalt  }
0x61: {  	_ =	shalt  }
0x62: {  	_ =	shalt  }
0x63: {  	_ =	shalt  }
0x64: {  	_ =	shalt  }
0x65: {  	_ =	shalt  }
0x66: {  	_ =	shalt  }
0x67: {  	_ =	shalt  }
0x68: {  	_ =	shalt  }
0x69: {  	_ =	shalt  }
0x6a: {  	_ =	shalt  }
0x6b: {  	_ =	shalt  }
0x6c: {  	_ =	shalt  }
0x6d: {  	_ =	shalt  }
0x6e: {  	_ =	shalt  }
0x6f: {  	_ =	shalt  }
0x70: {  	_ =	shalt  }
0x71: {  	_ =	shalt  }
0x72: {  	_ =	shalt  }
0x73: {  	_ =	shalt  }
0x74: {  	_ =	shalt  }
0x75: {  	_ =	shalt  }
0x76: {  	_ =	shalt  }
0x77: {  	_ =	shalt  }
0x78: {  	_ =	shalt  }
0x79: {  	_ =	shalt  }
0x7a: {  	_ =	shalt  }
0x7b: {  	_ =	shalt  }
0x7c: {  	_ =	shalt  }
0x7d: {  	_ =	shalt  }
0x7e: {  	_ =	shalt  }
0x7f: {  	_ =	shalt  }
0x80: {  	_ =	shalt  }
0x81: {  	_ =	shalt  }
0x82: {  	_ =	shalt  }
0x83: {  	_ =	shalt  }
0x84: {  	_ =	shalt  }
0x85: {  	_ =	shalt  }
0x86: {  	_ =	shalt  }
0x87: {  	_ =	shalt  }
.Lfunc_end0:
.L_simem_size_0:
called_computation_lowered:
.L_overlay_start_0:
0x88: {  	s2 =	sld [smem:$0x3FD9]  }
0x89: {  	s3 =	sld [smem:$0x3FFE];
	_ =	sdelay $0x1  }
0x8a: {  	s1 =	srdreg.scid  }
0x8b: {  	s0 =	sand.u32 $0x1, s1  }
0x8c: {  	s14 =	sshll.u32 s0, $0xA;
	s2 =	sadd.s32 s3, s2  }
0x8d: {  	s2 =	sadd.s32 s2, s14  }
0x8e: {  	[smem:$0x3FBD] =	sst s2  }
0x8f: {  	_ = 	snop  }
0x90: {  	s2 =	sld [smem:$0x3FD0];
	_ =	sdelay $0x2  }
0x91: {  	s4 =	simm.s32 $0xA;
	s5 =	simm.s32 $0x10;
	s15 =	sld [smem:$0x3FC8]  }
0x92: {  	[smem:s5], [sflag:s4] =	dma.local [hbm:s2], $0x1  }
0x93: {  	_ =	swait.eq [sflag:s4], $0x1  }
0x94: {  	[sflag:s4] =	ssyncset.done $0x0  }
0x95: {  	[sflag:s4] =	ssyncadd.s32 $0xFFFFFFFF  }
0x96: {  	s16 =	sld [smem:$0x10];
	(tm) =	ssettm $0x1  }
0x97: {  	s17 =	sld [smem:$0x3FFB];
	_ =	sdelay $0x3  }
0x98: {  	_ =	strace s17  }
0x99: {  	s4 =	sld [smem:$0x3FFC];
	_ =	sdelay $0x3  }
0x9a: {  	_ =	strace s4  }
0x9b: {  	s4 =	sld [smem:$0x3FFD];
	_ =	sdelay $0x3  }
0x9c: {  	_ =	strace s4  }
0x9d: {  	_ =	strace $0x8FFFFFFF  }
0x9e: {  	s18 =	sld [smem:$0x3FDB];
	_ =	sdelay $0x1  }
0x9f: {  	s19 =	simm.s32 $_scs_section_size  }
0xa0: {  	s6 =	simm.s32 $_size__tile_overlayer_lowered;
	s7 =	simm.s32 $_tile_overlayer_lowered  }
0xa1: {  	s22 =	simm.s32 $0x1BFF;
	s21 =	sshll.u32 s7, $0x1;
	s4 =	sadd.s32 s19, s18  }
0xa2: {  	s8 =	simm.s32 $0x0;
	s20 =	sshll.u32 s6, $0x1;
	s6 =	sadd.s32 s21, s4  }
0xa3: {  	[timem:s8], [sflag:s22] =	dma.local [hbm:s6], s20  }
0xa4: {  	_ =	swait.ge [sflag:s22], s20  }
0xa5: {  	s5 =	ssub.s32 $0x0, s20;
	[sflag:s22] =	ssyncset.done $0x0  }
0xa6: {  	[sflag:s22] =	ssyncadd.s32 s5;
	_ =	sdelay $0x1  }
0xa7: {  	s23 =	simm.s32 $0x1B8B  }
0xa8: {  	_ =	swait.ge [sflag:s23], $0x1  }
0xa9: {  	[sflag:s23] =	ssyncset.done $0x0  }
0xaa: {  	s25 =	simm.s32 $0x1B8E;
	s24 =	sld [smem:$0x3FFE];
	[sflag:s23] =	ssyncadd.s32 $0xFFFFFFFF  }
0xab: {  	s26 =	simm.s32 $execute0_lowered;
	[smem:$0x3FD2] =	sst s25  }
0xac: {  	s6 =	sshll.u32 s26, $0x1;
	_ =	strace $0x80000046;
	[dreg:$0x1] =	wrdreg $0xFFFFFFFF  }
0xad: {  	s28 =	simm.s32 $_size_execute0_lowered;
	s4 =	sadd.s32 s4, s6;
	[dreg:$0x0] =	wrdreg $0x0  }
0xae: {  	s6 =	sshll.u32 s28, $0x1;
	[dreg:$0x2] =	wrdreg s4  }
0xaf: {  	[dreg:$0x3] =	wrdreg s6  }
0xb0: {  	[dreg:$0x4] =	wrdreg $0xC0  }
0xb1: {  	_ =	task [dreg:s8], $0x5FFFF  }
0xb2: {  	[dreg:$0x1] =	wrdreg $0xFFFFFFFF  }
0xb3: {  	[dreg:$0x0] =	wrdreg $0x60  }
0xb4: {  	[dreg:$0x2] =	wrdreg s16  }
0xb5: {  	[dreg:$0x3] =	wrdreg s24  }
0xb6: {  	[dreg:$0x4] =	wrdreg s15  }
0xb7: {  	[dreg:$0x5] =	wrdreg $0x9  }
0xb8: {  	_ =	task.clear_ibuf [dreg:s8], $0x6FFFF;
	_ =	strace $0x90000046  }
0xb9: {  	s29 =	simm.s32 $0x9;
	_ =	strace $0x80000048  }
0xba: {  	_ =	swait.ge [sflag:s29], $0x1  }
0xbb: {  	[sflag:s29] =	ssyncadd.s32 $0xFFFFFFFF  }
0xbc: {  	_ =	strace $0x90000048  }
0xbd: {  	_ =	sfence  }
0xbe: {  	s30 =	sld [smem:$0x0];
	_ =	sdelay $0x2  }
0xbf: {  	s31 =	sshll.u32 s1, $0xD;
	s1 =	sshrl.u32 s1, $0x2  }
0xc0: {  	s3 =	sand.u32 $0x4000, s31;
	s1 =	sadd.s32 s1, s30  }
0xc1: {  	s0 =	sor.u32 s3, s0;
	s1 =	sshll.u32 s1, $0x11  }
0xc2: {  	s0 =	sor.u32 s1, s0  }
0xc3: {  	s0 =	sadd.s32 $0x8F2B, s0  }
0xc4: {  	[sflag:s0] =	ssyncadd.remote.s32 $0x1  }
0xc5: {  	_ =	sfence.sel $0xFFFF  }
0xc6: {  	[dreg:$0x0] =	wrdreg $0xFFFFFFFF;
	(pc) =	sbr.abs _section_cstart, $3  }
0xc7: {  	[dreg:$0x1] =	wrdreg $0xFFFFFFFF  }
0xc8: {  	_ =	task.clear_ibuf [dreg:s8], $0x2FFFF;
	_ =	strace $0x9FFFFFFF  }
0xc9: {  	(tm) =	ssettm $0x7FFFFFFF  }
tec
execute0_lowered:
.L_overlay_start_1:
0x0: {  	(tag) =	ssettag $0x1  }
0x1: {  	s0 =	rddreg [dreg:$0x0]  }
0x2: {  	s1 =	srdreg.scid;
	s6 =	rddreg [dreg:$0x1]  }
0x3: {  	s2 =	stileid.u32;
	s5 =	rddreg [dreg:$0x2];
	s30 =	simm.s32 $0x40  }
0x4: {  	s11 =	simm.s32 $0x4;
	s12 =	simm.s32 $0x5;
	s14 =	simm.s32 $0x6  }
0x5: {  	s10 =	simm.s32 $0x80;
	s13 =	simm.s32 $0x100;
	s16 =	simm.s32 $0x6100  }
0x6: {  	s17 =	simm.s32 $0x6180;
	s31 =	simm.s32 $0x6200;
	s18 =	simm.s32 $0xD00  }
0x7: {  	s19 =	simm.s32 $0x1500;
	s20 =	simm.s32 $0x1900;
	s21 =	simm.s32 $0x2100  }
0x8: {  	s28 =	simm.s32 $0x4500;
	s29 =	simm.s32 $0x4900;
	s1 =	sand.u32 $0x1, s1  }
0x9: {  	s3 =	sshll.u32 s2, $0x4;
	s2 =	simm.s32 $0x0;
	s4 =	sshll.u32 s1, $0x3  }
0xa: {  	[smem:$0x7FF] =	sst s2;
	s1 =	ssub.s32 $0x2, s1;
	s7 =	sor.u32 s4, s3  }
0xb: {  	_ =	strace $0x80000047;
	s3 =	sadd.s32 $0x2800, s6;
	s25 =	sshrl.u32 s1, $0x1  }
0xc: {  	s8 =	sadd.s32 s7, s6;
	s4 =	smul.u32 $0x180, s7;
	s26 =	sadd.s32 s5, s7  }
0xd: {  	s5 =	sadd.s32 $0x1C00, s6;
	s1 =	ssub.s32 s1, s25;
	s25 =	simm.s32 $0x3900  }
0xe: {  	s22 =	sadd.s32 $0x1400, s8;
	s9 =	sadd.s32 $0x1600, s8;
	[dreg:$0x9] =	wrdreg s26  }
0xf: {  	s23 =	sadd.s32 $0x1800, s8;
	s24 =	sadd.s32 $0x1A00, s8;
	[dreg:$0x4] =	wrdreg s22  }
0x10: {  	s7 =	smax.u32 s1, $0x1;
	s8 =	simm.s32 $0x7;
	[dreg:$0x5] =	wrdreg s9  }
0x11: {  	s26 =	simm.s32 $0x3D00;
	s1 =	simm.s32 $0x5500;
	[dreg:$0x7] =	wrdreg s23  }
0x12: {  	v2 =	vlaneseq.u32;
	s0 =	sadd.s32 s0, s4;
	s4 =	sadd.s32 $0x2200, s6;
	[dreg:$0x8] =	wrdreg s24  }
0x13: {  	vm0 =	vmmov $0xffff;
	vm1 =	vmmov $0xff;
	v1 =	vshrl.u32 v2, $0x3;
	s6 =	sadd.s32 $0x2900, s6;
	s22 =	simm.s32 $0x2500;
	s23 =	simm.s32 $0x2D00  }
0x14: {  	v0 =	vand.u32 $0x7, v2;
	v2 =	vor.u32 $0x8, v2;
	v1 =	vmul.u32 $0x8, v1;
	s24 =	simm.s32 $0x3100;
	s9 =	simm.s32 $0x5100;
	[dreg:$0x6] =	wrdreg s0  }
.LBB2_1:
0x15: {  	s15 =	rddreg [dreg:$0x4]  }
0x16: {  	[tilespmem:s2], [sflag:$0x7] =	stream.linear.gather [hbm4b:s15+s2], $0x40, $0x38;
	[tilespmem:$0x6280] =	vst v63  }
0x17: {  	_ =	swait.ge [sflag:s8], $0x40  }
0x18: {  	[sflag:s8] =	ssyncset.done $0x0  }
0x19: {  	s0 =	rddreg [dreg:$0x5];
	[sflag:s8] =	ssyncadd.s32 $0xFFFFFFC0  }
0x1a: {  	[tilespmem:s10], [sflag:$0x7] =	stream.linear.gather [hbm4b:s0+s2], $0x40, $0x38;
	[tilespmem:$0x6280] =	vst v63  }
0x1b: {  	_ =	swait.ge [sflag:s8], $0x40  }
0x1c: {  	[sflag:s8] =	ssyncset.done $0x0  }
0x1d: {  	s0 =	rddreg [dreg:$0x6];
	[sflag:s8] =	ssyncadd.s32 $0xFFFFFFC0  }
0x1e: {  	[tilespmem:s13], [sflag:$0x7] =	stream.linear.gather [hbm4b:s0+s2], $0x6000, $0x38;
	[tilespmem:$0x6280] =	vst v63  }
0x1f: {  	_ =	swait.ge [sflag:s8], $0x6000  }
0x20: {  	[sflag:s8] =	ssyncset.done $0x0  }
0x21: {  	s0 =	rddreg [dreg:$0x7];
	[sflag:s8] =	ssyncadd.s32 $0xFFFFA000  }
0x22: {  	[tilespmem:s16], [sflag:$0x7] =	stream.linear.gather [hbm4b:s0+s2], $0x40, $0x38;
	[tilespmem:$0x6280] =	vst v63  }
0x23: {  	_ =	swait.ge [sflag:s8], $0x40  }
0x24: {  	[sflag:s8] =	ssyncset.done $0x0  }
0x25: {  	s0 =	rddreg [dreg:$0x8];
	[sflag:s8] =	ssyncadd.s32 $0xFFFFFFC0  }
0x26: {  	[tilespmem:s17], [sflag:$0x7] =	stream.linear.gather [hbm4b:s0+s2], $0x40, $0x38;
	[tilespmem:$0x6280] =	vst v63  }
0x27: {  	_ =	swait.ge [sflag:s8], $0x40  }
0x28: {  	[sflag:s8] =	ssyncset.done $0x0  }
0x29: {  	s0 =	rddreg [dreg:$0x9];
	[sflag:s8] =	ssyncadd.s32 $0xFFFFFFC0  }
0x2a: {  	[tilespmem:s31], [sflag:$0x7] =	stream.linear.gather [hbm4b:s0+s2], $0x40, $0x38;
	[tilespmem:$0x6280] =	vst v63  }
0x2b: {  	_ =	swait.ge [sflag:s8], $0x40  }
0x2c: {  	[sflag:s8] =	ssyncset.done $0x0  }
0x2d: {  	[sflag:s8] =	ssyncadd.s32 $0xFFFFFFC0  }
0x2e: {  	v3 =	vld [tilespmem:$0x0];
	_ =	sdelay $0x4  }
0x2f: {  	v4 =	vshrl.u32 v3, $0x3  }
0x30: {  	v4 =	vmul.u32 $0x18, v4  }
0x31: {  	v3 =	vand.u32 $0x7, v3  }
0x32: {  	v3 =	vor.u32 v3, v4  }
0x33: {  	v4 =	vperm.xlane v3, v0;
	_ =	sdelay $0x1  }
0x34: {  	v4 =	vadd.s32 v1, v4;
	_ =	sdelay $0x1  }
0x35: {  	v3 =	vperm.xlane v3, v2;
	_ =	sdelay $0x1  }
0x36: {  	v3 =	vadd.s32 v1, v3  }
0x37: {  	[hbm4b:s3+s2] =	stream.indirect_vreg.scatter [tilespmem:s13], [sflag:$0x1], $0x80, v4, vm0, $0xb8;
	[tilespmem:$0x6280] =	vst v63  }
0x38: {  	s15 =	simm.s32 $0x900  }
0x39: {  	[hbm4b:s6+s2] =	stream.indirect_vreg.scatter [tilespmem:s15], [sflag:$0x1], $0x80, v4, vm1, $0xb8;
	[tilespmem:$0x6280] =	vst v63  }
0x3a: {  	_ = 	snop  }
0x3b: {  	[hbm4b:s3+s2] =	stream.indirect_vreg.scatter [tilespmem:s18], [sflag:$0x1], $0x80, v3, vm0, $0xb8;
	[tilespmem:$0x6280] =	vst v63  }
0x3c: {  	_ = 	snop  }
0x3d: {  	[hbm4b:s6+s2] =	stream.indirect_vreg.scatter [tilespmem:s19], [sflag:$0x1], $0x80, v3, vm1, $0xb8;
	[tilespmem:$0x6280] =	vst v63  }
0x3e: {  	v3 =	vld [tilespmem:$0x10];
	_ =	sdelay $0x4  }
0x3f: {  	v57 =	vshrl.u32 v3, $0x3  }
0x40: {  	v4 =	vmul.u32 $0x18, v57  }
0x41: {  	v3 =	vand.u32 $0x7, v3  }
0x42: {  	v3 =	vor.u32 v3, v4  }
0x43: {  	v4 =	vperm.xlane v3, v0;
	_ =	sdelay $0x1  }
0x44: {  	v4 =	vadd.s32 v1, v4;
	_ =	sdelay $0x1  }
0x45: {  	v3 =	vperm.xlane v3, v2;
	_ =	sdelay $0x1  }
0x46: {  	v3 =	vadd.s32 v1, v3  }
0x47: {  	[hbm4b:s3+s2] =	stream.indirect_vreg.scatter [tilespmem:s20], [sflag:$0x1], $0x80, v4, vm0, $0xb8;
	[tilespmem:$0x6280] =	vst v63  }
0x48: {  	_ = 	snop  }
0x49: {  	[hbm4b:s6+s2] =	stream.indirect_vreg.scatter [tilespmem:s21], [sflag:$0x1], $0x80, v4, vm1, $0xb8;
	[tilespmem:$0x6280] =	vst v63  }
0x4a: {  	_ = 	snop  }
0x4b: {  	[hbm4b:s3+s2] =	stream.indirect_vreg.scatter [tilespmem:s22], [sflag:$0x1], $0x80, v3, vm0, $0xb8;
	[tilespmem:$0x6280] =	vst v63  }
0x4c: {  	_ = 	snop  }
0x4d: {  	[hbm4b:s6+s2] =	stream.indirect_vreg.scatter [tilespmem:s23], [sflag:$0x1], $0x80, v3, vm1, $0xb8;
	[tilespmem:$0x6280] =	vst v63  }
0x4e: {  	v3 =	vld [tilespmem:$0x20];
	_ =	sdelay $0x4  }
0x4f: {  	v58 =	vshrl.u32 v3, $0x3  }
0x50: {  	v4 =	vmul.u32 $0x18, v58  }
0x51: {  	v3 =	vand.u32 $0x7, v3  }
0x52: {  	v3 =	vor.u32 v3, v4  }
0x53: {  	v4 =	vperm.xlane v3, v0;
	_ =	sdelay $0x1  }
0x54: {  	v4 =	vadd.s32 v1, v4;
	_ =	sdelay $0x1  }
0x55: {  	v3 =	vperm.xlane v3, v2;
	_ =	sdelay $0x1  }
0x56: {  	v3 =	vadd.s32 v1, v3  }
0x57: {  	[hbm4b:s3+s2] =	stream.indirect_vreg.scatter [tilespmem:s24], [sflag:$0x1], $0x80, v4, vm0, $0xb8;
	[tilespmem:$0x6280] =	vst v63  }
0x58: {  	_ = 	snop  }
0x59: {  	[hbm4b:s6+s2] =	stream.indirect_vreg.scatter [tilespmem:s25], [sflag:$0x1], $0x80, v4, vm1, $0xb8;
	[tilespmem:$0x6280] =	vst v63  }
0x5a: {  	_ = 	snop  }
0x5b: {  	[hbm4b:s3+s2] =	stream.indirect_vreg.scatter [tilespmem:s26], [sflag:$0x1], $0x80, v3, vm0, $0xb8;
	[tilespmem:$0x6280] =	vst v63  }
0x5c: {  	_ = 	snop  }
0x5d: {  	[hbm4b:s6+s2] =	stream.indirect_vreg.scatter [tilespmem:s28], [sflag:$0x1], $0x80, v3, vm1, $0xb8;
	[tilespmem:$0x6280] =	vst v63  }
0x5e: {  	v3 =	vld [tilespmem:$0x30];
	_ =	sdelay $0x4  }
0x5f: {  	v59 =	vshrl.u32 v3, $0x3  }
0x60: {  	v4 =	vmul.u32 $0x18, v59  }
0x61: {  	v3 =	vand.u32 $0x7, v3  }
0x62: {  	v3 =	vor.u32 v3, v4  }
0x63: {  	v4 =	vperm.xlane v3, v0;
	_ =	sdelay $0x1  }
0x64: {  	v4 =	vadd.s32 v1, v4;
	_ =	sdelay $0x1  }
0x65: {  	v3 =	vperm.xlane v3, v2;
	_ =	sdelay $0x1  }
0x66: {  	v3 =	vadd.s32 v1, v3  }
0x67: {  	[hbm4b:s3+s2] =	stream.indirect_vreg.scatter [tilespmem:s29], [sflag:$0x1], $0x80, v4, vm0, $0xb8;
	[tilespmem:$0x6280] =	vst v63  }
0x68: {  	_ = 	snop  }
0x69: {  	[hbm4b:s6+s2] =	stream.indirect_vreg.scatter [tilespmem:s9], [sflag:$0x1], $0x80, v4, vm1, $0xb8;
	[tilespmem:$0x6280] =	vst v63  }
0x6a: {  	_ = 	snop  }
0x6b: {  	[hbm4b:s3+s2] =	stream.indirect_vreg.scatter [tilespmem:s1], [sflag:$0x1], $0x80, v3, vm0, $0xb8;
	[tilespmem:$0x6280] =	vst v63  }
0x6c: {  	s0 =	simm.s32 $0x5D00  }
0x6d: {  	[hbm4b:s6+s2] =	stream.indirect_vreg.scatter [tilespmem:s0], [sflag:$0x1], $0x80, v3, vm1, $0xb8;
	[tilespmem:$0x6280] =	vst v63  }
0x6e: {  	v3 =	vld [tilespmem:$0x80];
	_ =	sdelay $0x4  }
0x6f: {  	v60 =	vshrl.u32 v3, $0x3  }
0x70: {  	v4 =	vmul.u32 $0x18, v60  }
0x71: {  	v3 =	vand.u32 $0x7, v3  }
0x72: {  	v3 =	vor.u32 v3, v4  }
0x73: {  	v4 =	vperm.xlane v3, v0;
	_ =	sdelay $0x1  }
0x74: {  	v4 =	vadd.s32 v1, v4;
	_ =	sdelay $0x1  }
0x75: {  	v3 =	vperm.xlane v3, v2;
	_ =	sdelay $0x1  }
0x76: {  	v3 =	vadd.s32 v1, v3  }
0x77: {  	[hbm4b:s3+s2] =	stream.indirect_vreg.scatter [tilespmem:s13], [sflag:$0x2], $0x80, v4, vm0, $0xb8;
	[tilespmem:$0x6280] =	vst v63  }
0x78: {  	_ = 	snop  }
0x79: {  	[hbm4b:s6+s2] =	stream.indirect_vreg.scatter [tilespmem:s15], [sflag:$0x2], $0x80, v4, vm1, $0xb8;
	[tilespmem:$0x6280] =	vst v63  }
0x7a: {  	_ = 	snop  }
0x7b: {  	[hbm4b:s3+s2] =	stream.indirect_vreg.scatter [tilespmem:s18], [sflag:$0x2], $0x80, v3, vm0, $0xb8;
	[tilespmem:$0x6280] =	vst v63  }
0x7c: {  	_ = 	snop  }
0x7d: {  	[hbm4b:s6+s2] =	stream.indirect_vreg.scatter [tilespmem:s19], [sflag:$0x2], $0x80, v3, vm1, $0xb8;
	[tilespmem:$0x6280] =	vst v63  }
0x7e: {  	v3 =	vld [tilespmem:$0x90];
	_ =	sdelay $0x4  }
0x7f: {  	v61 =	vshrl.u32 v3, $0x3  }
0x80: {  	v4 =	vmul.u32 $0x18, v61  }
0x81: {  	v3 =	vand.u32 $0x7, v3  }
0x82: {  	v3 =	vor.u32 v3, v4  }
0x83: {  	v4 =	vperm.xlane v3, v0;
	_ =	sdelay $0x1  }
0x84: {  	v4 =	vadd.s32 v1, v4;
	_ =	sdelay $0x1  }
0x85: {  	v3 =	vperm.xlane v3, v2;
	_ =	sdelay $0x1  }
0x86: {  	v3 =	vadd.s32 v1, v3  }
0x87: {  	[hbm4b:s3+s2] =	stream.indirect_vreg.scatter [tilespmem:s20], [sflag:$0x2], $0x80, v4, vm0, $0xb8;
	[tilespmem:$0x6280] =	vst v63  }
0x88: {  	_ = 	snop  }
0x89: {  	[hbm4b:s6+s2] =	stream.indirect_vreg.scatter [tilespmem:s21], [sflag:$0x2], $0x80, v4, vm1, $0xb8;
	[tilespmem:$0x6280] =	vst v63  }
0x8a: {  	_ = 	snop  }
0x8b: {  	[hbm4b:s3+s2] =	stream.indirect_vreg.scatter [tilespmem:s22], [sflag:$0x2], $0x80, v3, vm0, $0xb8;
	[tilespmem:$0x6280] =	vst v63  }
0x8c: {  	_ = 	snop  }
0x8d: {  	[hbm4b:s6+s2] =	stream.indirect_vreg.scatter [tilespmem:s23], [sflag:$0x2], $0x80, v3, vm1, $0xb8;
	[tilespmem:$0x6280] =	vst v63  }
0x8e: {  	v3 =	vld [tilespmem:$0xA0];
	_ =	sdelay $0x4  }
0x8f: {  	v62 =	vshrl.u32 v3, $0x3  }
0x90: {  	v4 =	vmul.u32 $0x18, v62  }
0x91: {  	v3 =	vand.u32 $0x7, v3  }
0x92: {  	v3 =	vor.u32 v3, v4  }
0x93: {  	v4 =	vperm.xlane v3, v0;
	_ =	sdelay $0x1  }
0x94: {  	v4 =	vadd.s32 v1, v4;
	_ =	sdelay $0x1  }
0x95: {  	v3 =	vperm.xlane v3, v2;
	_ =	sdelay $0x1  }
0x96: {  	v3 =	vadd.s32 v1, v3  }
0x97: {  	[hbm4b:s3+s2] =	stream.indirect_vreg.scatter [tilespmem:s24], [sflag:$0x2], $0x80, v4, vm0, $0xb8;
	[tilespmem:$0x6280] =	vst v63  }
0x98: {  	_ = 	snop  }
0x99: {  	[hbm4b:s6+s2] =	stream.indirect_vreg.scatter [tilespmem:s25], [sflag:$0x2], $0x80, v4, vm1, $0xb8;
	[tilespmem:$0x6280] =	vst v63  }
0x9a: {  	_ = 	snop  }
0x9b: {  	[hbm4b:s3+s2] =	stream.indirect_vreg.scatter [tilespmem:s26], [sflag:$0x2], $0x80, v3, vm0, $0xb8;
	[tilespmem:$0x6280] =	vst v63  }
0x9c: {  	_ = 	snop  }
0x9d: {  	[hbm4b:s6+s2] =	stream.indirect_vreg.scatter [tilespmem:s28], [sflag:$0x2], $0x80, v3, vm1, $0xb8;
	[tilespmem:$0x6280] =	vst v63  }
0x9e: {  	v3 =	vld [tilespmem:$0xB0];
	_ =	sdelay $0x4  }
0x9f: {  	v63 =	vshrl.u32 v3, $0x3  }
0xa0: {  	v4 =	vmul.u32 $0x18, v63  }
0xa1: {  	v3 =	vand.u32 $0x7, v3  }
0xa2: {  	v3 =	vor.u32 v3, v4  }
0xa3: {  	v4 =	vperm.xlane v3, v0;
	_ =	sdelay $0x1  }
0xa4: {  	v4 =	vadd.s32 v1, v4;
	_ =	sdelay $0x1  }
0xa5: {  	v3 =	vperm.xlane v3, v2;
	_ =	sdelay $0x1  }
0xa6: {  	v3 =	vadd.s32 v1, v3  }
0xa7: {  	[hbm4b:s3+s2] =	stream.indirect_vreg.scatter [tilespmem:s29], [sflag:$0x2], $0x80, v4, vm0, $0xb8;
	[tilespmem:$0x6280] =	vst v63  }
0xa8: {  	_ = 	snop  }
0xa9: {  	[hbm4b:s6+s2] =	stream.indirect_vreg.scatter [tilespmem:s9], [sflag:$0x2], $0x80, v4, vm1, $0xb8;
	[tilespmem:$0x6280] =	vst v63  }
0xaa: {  	_ = 	snop  }
0xab: {  	[hbm4b:s3+s2] =	stream.indirect_vreg.scatter [tilespmem:s1], [sflag:$0x2], $0x80, v3, vm0, $0xb8;
	[tilespmem:$0x6280] =	vst v63  }
0xac: {  	_ = 	snop  }
0xad: {  	[hbm4b:s6+s2] =	stream.indirect_vreg.scatter [tilespmem:s0], [sflag:$0x2], $0x80, v3, vm1, $0xb8;
	[tilespmem:$0x6280] =	vst v63  }
0xae: {  	_ = 	snop  }
0xaf: {  	[hbm4b:s4+s30] =	stream.indirect.scatter [tilespmem:s16], [sflag:$0x3], $0x1, s2, s30, $0xb8;
	[tilespmem:$0x6280] =	vst v63  }
0xb0: {  	_ = 	snop  }
0xb1: {  	[hbm4b:s4+s30] =	stream.indirect.scatter [tilespmem:s17], [sflag:$0x4], $0x1, s10, s30, $0xb8;
	[tilespmem:$0x6280] =	vst v63  }
0xb2: {  	_ = 	snop  }
0xb3: {  	[hbm4b:s5+s30] =	stream.indirect.scatter [tilespmem:s31], [sflag:$0x5], $0x1, s2, s30, $0xb8;
	[tilespmem:$0x6280] =	vst v63  }
0xb4: {  	s15 =	simm.s32 $0x1  }
0xb5: {  	[hbm4b:s5+s30] =	stream.indirect.scatter [tilespmem:s31], [sflag:$0x6], $0x1, s10, s30, $0xb8;
	[tilespmem:$0x6280] =	vst v63  }
0xb6: {  	_ =	swait.ge [sflag:s15], $0x6000  }
0xb7: {  	[sflag:s15] =	ssyncset.done $0x0  }
0xb8: {  	[sflag:s15] =	ssyncadd.s32 $0xFFFFA000;
	s15 =	simm.s32 $0x2  }
0xb9: {  	_ =	swait.ge [sflag:s15], $0x6000  }
0xba: {  	[sflag:s15] =	ssyncset.done $0x0  }
0xbb: {  	[sflag:s15] =	ssyncadd.s32 $0xFFFFA000;
	s15 =	simm.s32 $0x3  }
0xbc: {  	_ =	swait.ge [sflag:s15], $0x40  }
0xbd: {  	[sflag:s15] =	ssyncset.done $0x0  }
0xbe: {  	[sflag:s15] =	ssyncadd.s32 $0xFFFFFFC0  }
0xbf: {  	_ =	swait.ge [sflag:s11], $0x40  }
0xc0: {  	[sflag:s11] =	ssyncset.done $0x0  }
0xc1: {  	[sflag:s11] =	ssyncadd.s32 $0xFFFFFFC0  }
0xc2: {  	p0 =	sne.s32 s7, $0x1;
	_ =	swait.ge [sflag:s12], $0x40  }
.Ltmp0:
0xc3: {  	[sflag:s12] =	ssyncset.done $0x0;
	(pc) =	sbr.rel @p0 .LBB2_1-.Ltmp0, $4  }
0xc4: {  	[sflag:s12] =	ssyncadd.s32 $0xFFFFFFC0  }
0xc5: {  	_ =	swait.ge [sflag:s14], $0x40  }
0xc6: {  	[sflag:s14] =	ssyncset.done $0x0  }
0xc7: {  	s7 =	sadd.s32 $0xFFFFFFFF, s7;
	[sflag:s14] =	ssyncadd.s32 $0xFFFFFFC0  }
0xc8: {  	_ =	sfence.sel $0x180000  }
0xc9: {  	[bflag:$0x0] =	sbarrier.arrive $0xFFFF  }
0xca: {  	_ =	strace $0x90000047  }
0xcb: {  	s0 =	stileid.u32;
	[bflag:$0x2] =	sbarrier.arrive $0xFFFF  }
0xcc: {  	p0 =	sne.s32 s0, $0x0;
	s0 =	rddreg [dreg:$0x3]  }
0xcd: {  	s0 =	sadd.s32 @!p0 $0x100000, s0  }
0xce: {  	[sflag:s0] =	ssyncadd.tile.s32 @!p0 $0x1;
	_ =	shalt  }
.Lfunc_end2:
_tile_overlayer_lowered:
.L_overlay_start_2:
0xcf: {  	(tag) =	ssettag $0x2  }
0xd0: {  	s0 =	rddreg [dreg:$0x0];
	s2 =	stileid.u32  }
0xd1: {  	s1 =	rddreg [dreg:$0x1];
	p0 =	sne.s32 s2, $0x0  }
0xd2: {  	s3 =	rddreg [dreg:$0x2];
	[bflag:$0x3] =	sbarrier.arrive $0xFFFF;
	s2 =	simm.s32 @!p0 $0x1C07  }
0xd3: {  	[timem:s3], [sflag:s2] =	dma.local @!p0 [hbm:s0], s1  }
0xd4: {  	s0 =	simm.s32 @!p0 $0x7  }
0xd5: {  	_ =	swait.ge @!p0 [sflag:s0], s1  }
0xd6: {  	s1 =	ssub.s32 @!p0 $0x0, s1;
	[sflag:s0] =	ssyncset.done @!p0 $0x0  }
0xd7: {  	[sflag:s0] =	ssyncadd.s32 @!p0 s1  }
0xd8: {  	[bflag:$0x3] =	sbarrier.arrive $0xFFFF  }
0xd9: {  	_ =	shalt  }

// kernel: kernel.9.cloned.1.call-start
scs
__scs_entry_jumppad:
0x0: {  	(pc) =	sbr.rel $0x88, $3  }
0x1: {  	(tag) =	ssettag $0x0;
	lr =	simm.s32 $0x1  }
0x2: {  	[smem:$0x3F96] =	sst lr;
	_ =	strace $0xD0000000  }
0x3: {  	_ = 	snop  }
0x4: {  	_ = 	snop  }
0x5: {  	_ = 	snop  }
0x6: {  	_ = 	snop  }
0x7: {  	_ = 	snop  }
__scs_overlays_trampoline_lowered:
0x8: {  	[smem:$0x3FA5] =	sst s0  }
0x9: {  	[smem:$0x3FA6] =	sst s1  }
0xa: {  	[smem:$0x3FA7] =	sst s2  }
0xb: {  	[smem:$0x3FA8] =	sst s3  }
0xc: {  	[smem:$0x3FA9] =	sst s4  }
0xd: {  	[smem:$0x3FAA] =	sst s5  }
0xe: {  	[smem:$0x3FAB] =	sst s6  }
0xf: {  	[smem:$0x3FAC] =	sst s7  }
0x10: {  	[smem:$0x3FAD] =	sst s8  }
0x11: {  	[smem:$0x3FAE] =	sst s9;
	s0 =	simm.s32 @!p0 $0x0  }
0x12: {  	s1 =	sld [smem:$0x3F94];
	s0 =	simm.s32 @p0 $0x1  }
0x13: {  	[smem:$0x3FAF] =	sst s0;
	s0 =	simm.s32 @!p1 $0x0  }
0x14: {  	s2 =	sld [smem:$0x3F93];
	s0 =	simm.s32 @p1 $0x1  }
0x15: {  	[smem:$0x3FB0] =	sst s0;
	s0 =	simm.s32 @!p2 $0x0  }
0x16: {  	s3 =	sld [smem:$0x3FDB];
	s0 =	simm.s32 @p2 $0x1  }
0x17: {  	s4 =	simm.s32 $0x1BF5;
	[smem:$0x3FB2] =	sst s0  }
0x18: {  	s0 =	sld [smem:$0x3F95];
	_ =	swait.ge [sflag:s4], $0x0  }
0x19: {  	s7 =	sld [smem:$0x3F96]  }
0x1a: {  	s8 =	sadd.s32 $0xFFFFE003, lr  }
0x1b: {  	s9 =	sadd.s32 $0xFFFFFEF7, lr;
	s5 =	simm.s32 $0xFFFFFFFF;
	p2 =	slt.u32 s8, $0xFFFFF086  }
0x1c: {  	p1 =	slt.u32 s9, $0xF7A;
	s5 =	simm.s32 @!p2 $0x0  }
0x1d: {  	s5 =	simm.s32 @p1 $0x1;
	p0 =	seq.s32 s7, s2  }
0x1e: {  	s7 =	smul.u32 @!p0 $0xF7A, s2;
	p2 =	seq.s32 @!p0 s5, $0x0  }
0x1f: {  	s9 =	smul.u32 $0xF7A, s1;
	s8 =	simm.s32 @!p0 $0x1BF5;
	p2 =	por !p2, p0  }
0x20: {  	[sflag:s8] =	ssyncset.s32 @!p0 $0xFFFFF086;
	s6 =	sadd.s32 @!p0 s3, s7;
	s7 =	simm.s32 @!p0 $0x108  }
0x21: {  	s3 =	sadd.s32 s3, s9;
	s6 =	sadd.s32 @!p0 $0x88, s6;
	s7 =	simm.s32 @p2 $0x1082  }
0x22: {  	[simem:s7], [sflag:s8] =	dma.local @!p0 [hbm:s6], $0xF7A  }
0x23: {  	s9 =	sor.u32 $0xD0000000, s2;
	s6 =	simm.s32 $0x108;
	_ =	swait.ge @!p0 [sflag:s8], $0x0  }
0x24: {  	s3 =	sadd.s32 $0x88, s3;
	s6 =	simm.s32 @!p1 $0x1082;
	[sflag:s4] =	ssyncset.s32 $0xFFFFF086  }
0x25: {  	[simem:s6], [sflag:s4] =	dma.local [hbm:s3], $0xF7A  }
0x26: {  	[smem:$0x3F96] =	sst s1;
	(tag) =	ssettag s2;
	_ =	strace s9  }
0x27: {  	s1 =	sld [smem:$0x3FA6]  }
0x28: {  	s2 =	sld [smem:$0x3FA7]  }
0x29: {  	s4 =	sld [smem:$0x3FA9]  }
0x2a: {  	p0 =	seq.s32 s5, $0x0;
	s5 =	sld [smem:$0x3FAA]  }
0x2b: {  	s6 =	sld [smem:$0x3FAB]  }
0x2c: {  	s7 =	sld [smem:$0x3FAC]  }
0x2d: {  	s3 =	simm.s32 $0x108;
	s8 =	sld [smem:$0x3FAD]  }
0x2e: {  	s3 =	simm.s32 @!p0 $0x1082;
	s9 =	sld [smem:$0x3FAE]  }
0x2f: {  	lr =	sadd.s32 s0, s3;
	s0 =	sld [smem:$0x3FA5]  }
0x30: {  	s3 =	sld [smem:$0x3FA8]  }
0x31: {  	[smem:$0x3FB1] =	sst s10  }
0x32: {  	s10 =	sld [smem:$0x3FAF];
	_ =	sdelay $0x3  }
0x33: {  	p0 =	seq.s32 s10, $0x1;
	s10 =	sld [smem:$0x3FB1];
	_ =	sdelay $0x3  }
0x34: {  	[smem:$0x3FB1] =	sst s10  }
0x35: {  	s10 =	sld [smem:$0x3FB0];
	_ =	sdelay $0x3  }
0x36: {  	p1 =	seq.s32 s10, $0x1;
	s10 =	sld [smem:$0x3FB1];
	_ =	sdelay $0x3  }
0x37: {  	[smem:$0x3FB1] =	sst s10  }
0x38: {  	s10 =	sld [smem:$0x3FB2]  }
0x39: {  	_ = 	snop;
	(pc) =	sbr.ind lr, $3  }
0x3a: {  	_ = 	snop  }
0x3b: {  	_ = 	snop  }
0x3c: {  	p2 =	seq.s32 s10, $0x1;
	s10 =	sld [smem:$0x3FB1]  }
0x3d: {  	_ =	shalt  }
0x3e: {  	_ =	shalt  }
0x3f: {  	_ =	shalt  }
0x40: {  	_ =	shalt  }
0x41: {  	_ =	shalt  }
0x42: {  	_ =	shalt  }
0x43: {  	_ =	shalt  }
0x44: {  	_ =	shalt  }
0x45: {  	_ =	shalt  }
0x46: {  	_ =	shalt  }
0x47: {  	_ =	shalt  }
0x48: {  	_ =	shalt  }
0x49: {  	_ =	shalt  }
0x4a: {  	_ =	shalt  }
0x4b: {  	_ =	shalt  }
0x4c: {  	_ =	shalt  }
0x4d: {  	_ =	shalt  }
0x4e: {  	_ =	shalt  }
0x4f: {  	_ =	shalt  }
0x50: {  	_ =	shalt  }
0x51: {  	_ =	shalt  }
0x52: {  	_ =	shalt  }
0x53: {  	_ =	shalt  }
0x54: {  	_ =	shalt  }
0x55: {  	_ =	shalt  }
0x56: {  	_ =	shalt  }
0x57: {  	_ =	shalt  }
0x58: {  	_ =	shalt  }
0x59: {  	_ =	shalt  }
0x5a: {  	_ =	shalt  }
0x5b: {  	_ =	shalt  }
0x5c: {  	_ =	shalt  }
0x5d: {  	_ =	shalt  }
0x5e: {  	_ =	shalt  }
0x5f: {  	_ =	shalt  }
0x60: {  	_ =	shalt  }
0x61: {  	_ =	shalt  }
0x62: {  	_ =	shalt  }
0x63: {  	_ =	shalt  }
0x64: {  	_ =	shalt  }
0x65: {  	_ =	shalt  }
0x66: {  	_ =	shalt  }
0x67: {  	_ =	shalt  }
0x68: {  	_ =	shalt  }
0x69: {  	_ =	shalt  }
0x6a: {  	_ =	shalt  }
0x6b: {  	_ =	shalt  }
0x6c: {  	_ =	shalt  }
0x6d: {  	_ =	shalt  }
0x6e: {  	_ =	shalt  }
0x6f: {  	_ =	shalt  }
0x70: {  	_ =	shalt  }
0x71: {  	_ =	shalt  }
0x72: {  	_ =	shalt  }
0x73: {  	_ =	shalt  }
0x74: {  	_ =	shalt  }
0x75: {  	_ =	shalt  }
0x76: {  	_ =	shalt  }
0x77: {  	_ =	shalt  }
0x78: {  	_ =	shalt  }
0x79: {  	_ =	shalt  }
0x7a: {  	_ =	shalt  }
0x7b: {  	_ =	shalt  }
0x7c: {  	_ =	shalt  }
0x7d: {  	_ =	shalt  }
0x7e: {  	_ =	shalt  }
0x7f: {  	_ =	shalt  }
0x80: {  	_ =	shalt  }
0x81: {  	_ =	shalt  }
0x82: {  	_ =	shalt  }
0x83: {  	_ =	shalt  }
0x84: {  	_ =	shalt  }
0x85: {  	_ =	shalt  }
0x86: {  	_ =	shalt  }
0x87: {  	_ =	shalt  }
.Lfunc_end0:
.L_simem_size_0:
called_computation.1_lowered:
.L_overlay_start_0:
0x88: {  	s2 =	sld [smem:$0x3FD9]  }
0x89: {  	s3 =	sld [smem:$0x3FFE];
	_ =	sdelay $0x1  }
0x8a: {  	s1 =	srdreg.scid  }
0x8b: {  	s0 =	sand.u32 $0x1, s1  }
0x8c: {  	s14 =	sshll.u32 s0, $0xA;
	s2 =	sadd.s32 s3, s2  }
0x8d: {  	s2 =	sadd.s32 s2, s14  }
0x8e: {  	[smem:$0x3FBD] =	sst s2  }
0x8f: {  	_ = 	snop  }
0x90: {  	s2 =	sld [smem:$0x3FD0];
	_ =	sdelay $0x2  }
0x91: {  	s15 =	simm.s32 $0xA;
	s4 =	simm.s32 $0x10  }
0x92: {  	[smem:s4], [sflag:s15] =	dma.local [hbm:s2], $0x1  }
0x93: {  	_ =	swait.eq [sflag:s15], $0x1  }
0x94: {  	[sflag:s15] =	ssyncset.done $0x0  }
0x95: {  	[sflag:s15] =	ssyncadd.s32 $0xFFFFFFFF  }
0x96: {  	s16 =	sld [smem:$0x10];
	(tm) =	ssettm $0x1  }
0x97: {  	s17 =	sld [smem:$0x3FFB];
	_ =	sdelay $0x3  }
0x98: {  	_ =	strace s17  }
0x99: {  	s3 =	sld [smem:$0x3FFC];
	_ =	sdelay $0x3  }
0x9a: {  	_ =	strace s3  }
0x9b: {  	s3 =	sld [smem:$0x3FFD];
	_ =	sdelay $0x3  }
0x9c: {  	_ =	strace s3  }
0x9d: {  	_ =	strace $0x8FFFFFFF  }
0x9e: {  	s18 =	sld [smem:$0x3FDB];
	_ =	sdelay $0x1  }
0x9f: {  	s19 =	simm.s32 $_scs_section_size  }
0xa0: {  	s5 =	simm.s32 $_size__tile_overlayer_lowered;
	s6 =	simm.s32 $_tile_overlayer_lowered  }
0xa1: {  	s22 =	simm.s32 $0x1BFF;
	s21 =	sshll.u32 s6, $0x1;
	s3 =	sadd.s32 s19, s18  }
0xa2: {  	s7 =	simm.s32 $0x0;
	s20 =	sshll.u32 s5, $0x1;
	s5 =	sadd.s32 s21, s3  }
0xa3: {  	[timem:s7], [sflag:s22] =	dma.local [hbm:s5], s20  }
0xa4: {  	_ =	swait.ge [sflag:s22], s20  }
0xa5: {  	s4 =	ssub.s32 $0x0, s20;
	[sflag:s22] =	ssyncset.done $0x0  }
0xa6: {  	[sflag:s22] =	ssyncadd.s32 s4;
	_ =	sdelay $0x1  }
0xa7: {  	s23 =	simm.s32 $0x1B8B  }
0xa8: {  	_ =	swait.ge [sflag:s23], $0x1  }
0xa9: {  	[sflag:s23] =	ssyncset.done $0x0  }
0xaa: {  	s25 =	simm.s32 $0x1B8E;
	s24 =	sld [smem:$0x3FFE];
	[sflag:s23] =	ssyncadd.s32 $0xFFFFFFFF  }
0xab: {  	s26 =	simm.s32 $execute0_lowered;
	[smem:$0x3FD2] =	sst s25  }
0xac: {  	s5 =	sshll.u32 s26, $0x1;
	_ =	strace $0x80000049;
	[dreg:$0x1] =	wrdreg $0xFFFFFFFF  }
0xad: {  	s28 =	simm.s32 $_size_execute0_lowered;
	s3 =	sadd.s32 s3, s5;
	[dreg:$0x0] =	wrdreg $0x0  }
0xae: {  	s5 =	sshll.u32 s28, $0x1;
	[dreg:$0x2] =	wrdreg s3  }
0xaf: {  	[dreg:$0x3] =	wrdreg s5  }
0xb0: {  	[dreg:$0x4] =	wrdreg $0xC0  }
0xb1: {  	_ =	task [dreg:s7], $0x5FFFF  }
0xb2: {  	[dreg:$0x1] =	wrdreg $0xFFFFFFFF  }
0xb3: {  	[dreg:$0x0] =	wrdreg $0x60  }
0xb4: {  	[dreg:$0x2] =	wrdreg s24  }
0xb5: {  	[dreg:$0x3] =	wrdreg s16  }
0xb6: {  	[dreg:$0x4] =	wrdreg $0x9  }
0xb7: {  	_ =	task.clear_ibuf [dreg:s7], $0x5FFFF;
	_ =	strace $0x90000049  }
0xb8: {  	s29 =	simm.s32 $0x9;
	_ =	strace $0x8000004B  }
0xb9: {  	_ =	swait.ge [sflag:s29], $0x1  }
0xba: {  	[sflag:s29] =	ssyncadd.s32 $0xFFFFFFFF  }
0xbb: {  	_ =	strace $0x9000004B  }
0xbc: {  	_ =	sfence  }
0xbd: {  	s30 =	sld [smem:$0x0];
	_ =	sdelay $0x2  }
0xbe: {  	s31 =	sshll.u32 s1, $0xD;
	s1 =	sshrl.u32 s1, $0x2  }
0xbf: {  	s3 =	sand.u32 $0x4000, s31;
	s1 =	sadd.s32 s1, s30  }
0xc0: {  	s0 =	sor.u32 s3, s0;
	s1 =	sshll.u32 s1, $0x11  }
0xc1: {  	s0 =	sor.u32 s1, s0  }
0xc2: {  	s0 =	sadd.s32 $0x8F2B, s0  }
0xc3: {  	[sflag:s0] =	ssyncadd.remote.s32 $0x1  }
0xc4: {  	_ =	sfence.sel $0xFFFF  }
0xc5: {  	[dreg:$0x0] =	wrdreg $0xFFFFFFFF;
	(pc) =	sbr.abs _section_cstart, $3  }
0xc6: {  	[dreg:$0x1] =	wrdreg $0xFFFFFFFF  }
0xc7: {  	_ =	task.clear_ibuf [dreg:s7], $0x2FFFF;
	_ =	strace $0x9FFFFFFF  }
0xc8: {  	(tm) =	ssettm $0x7FFFFFFF  }
0xc9: {  	_ =	shalt  }
tec
execute0_lowered:
.L_overlay_start_1:
0x0: {  	(tag) =	ssettag $0x1  }
0x1: {  	s0 =	rddreg [dreg:$0x0]  }
0x2: {  	s1 =	rddreg [dreg:$0x1];
	s3 =	srdreg.scid  }
0x3: {  	s2 =	simm.s32 $0x0;
	s4 =	stileid.u32;
	s12 =	simm.s32 $0x100  }
0x4: {  	s15 =	simm.s32 $0x1;
	s29 =	simm.s32 $0x12100;
	s30 =	simm.s32 $0x12900  }
0x5: {  	s31 =	simm.s32 $0x13100;
	s11 =	simm.s32 $0x14900;
	s13 =	simm.s32 $0x15100  }
0x6: {  	s14 =	simm.s32 $0x15900;
	s16 =	simm.s32 $0x16100;
	s17 =	simm.s32 $0x16900  }
0x7: {  	s18 =	simm.s32 $0x17100;
	s19 =	simm.s32 $0x17900;
	s20 =	simm.s32 $0x0  }
0x8: {  	s3 =	sand.u32 $0x1, s3;
	[smem:$0x7FF] =	sst s2;
	s4 =	sshll.u32 s4, $0x4  }
0x9: {  	s5 =	sshll.u32 s3, $0x3;
	_ =	strace $0x8000004A;
	s7 =	ssub.s32 $0x2, s3  }
0xa: {  	s3 =	sadd.s32 $0x2D2800, s0;
	s6 =	sor.u32 s5, s4;
	s8 =	sshrl.u32 s7, $0x1  }
0xb: {  	s5 =	sadd.s32 s6, s0;
	s9 =	smul.u32 $0x300, s6;
	s6 =	sadd.s32 $0x2D2900, s0  }
0xc: {  	v2 =	vlaneseq.u32;
	s10 =	ssub.s32 s7, s8;
	s7 =	sadd.s32 $0x2D2A00, s0;
	s0 =	simm.s32 $0x13900  }
0xd: {  	vm0 =	vmmov $0xffff;
	v1 =	vshrl.u32 v2, $0x3;
	s4 =	sadd.s32 $0x1400, s5;
	s5 =	sadd.s32 $0x1600, s5;
	s8 =	sadd.s32 s1, s9  }
0xe: {  	v0 =	vand.u32 $0x7, v2;
	v2 =	vor.u32 $0x8, v2;
	v1 =	vmul.u32 $0x8, v1;
	s9 =	smax.u32 s10, $0x1;
	s10 =	simm.s32 $0x2;
	s1 =	simm.s32 $0x14100  }
.LBB2_1:
0xf: {  	[tilespmem:s2], [sflag:$0x2] =	stream.linear.gather [hbm4b:s4+s2], $0x40, $0x38;
	[tilespmem:$0x18100] =	vst v63  }
0x10: {  	_ =	swait.ge [sflag:s10], $0x40  }
0x11: {  	[sflag:s10] =	ssyncset.done $0x0  }
0x12: {  	s21 =	simm.s32 $0x80;
	[sflag:s10] =	ssyncadd.s32 $0xFFFFFFC0  }
0x13: {  	[tilespmem:s21], [sflag:$0x2] =	stream.linear.gather [hbm4b:s5+s2], $0x40, $0x38;
	[tilespmem:$0x18100] =	vst v63  }
0x14: {  	_ =	swait.ge [sflag:s10], $0x40  }
0x15: {  	[sflag:s10] =	ssyncset.done $0x0  }
0x16: {  	[sflag:s10] =	ssyncadd.s32 $0xFFFFFFC0  }
0x17: {  	v3 =	vld [tilespmem:$0x0];
	_ =	sdelay $0x4  }
0x18: {  	v4 =	vshrl.u32 v3, $0x3  }
0x19: {  	v4 =	vmul.u32 $0x30, v4  }
0x1a: {  	v3 =	vand.u32 $0x7, v3  }
0x1b: {  	v3 =	vor.u32 v3, v4  }
0x1c: {  	v4 =	vperm.xlane v3, v0;
	_ =	sdelay $0x1  }
0x1d: {  	v4 =	vadd.s32 v1, v4;
	_ =	sdelay $0x3  }
0x1e: {  	v3 =	vperm.xlane v3, v2  }
0x1f: {  	[tilespmem:s12], [sflag:$0x1] =	stream.indirect_vreg.gather [hbm4b:s3+s2], $0x80, v4, vm0, $0xb8;
	[tilespmem:$0x18100] =	vst v63  }
0x20: {  	s23 =	simm.s32 $0x900;
	v3 =	vadd.s32 v1, v3  }
0x21: {  	[tilespmem:s23], [sflag:$0x1] =	stream.indirect_vreg.gather [hbm4b:s6+s2], $0x80, v4, vm0, $0xb8;
	[tilespmem:$0x18100] =	vst v63  }
0x22: {  	s24 =	simm.s32 $0x1100  }
0x23: {  	[tilespmem:s24], [sflag:$0x1] =	stream.indirect_vreg.gather [hbm4b:s7+s2], $0x80, v4, vm0, $0xb8;
	[tilespmem:$0x18100] =	vst v63  }
0x24: {  	s25 =	simm.s32 $0x1900  }
0x25: {  	[tilespmem:s25], [sflag:$0x1] =	stream.indirect_vreg.gather [hbm4b:s3+s2], $0x80, v3, vm0, $0xb8;
	[tilespmem:$0x18100] =	vst v63  }
0x26: {  	s26 =	simm.s32 $0x2100  }
0x27: {  	[tilespmem:s26], [sflag:$0x1] =	stream.indirect_vreg.gather [hbm4b:s6+s2], $0x80, v3, vm0, $0xb8;
	[tilespmem:$0x18100] =	vst v63  }
0x28: {  	s28 =	simm.s32 $0x2900  }
0x29: {  	[tilespmem:s28], [sflag:$0x1] =	stream.indirect_vreg.gather [hbm4b:s7+s2], $0x80, v3, vm0, $0xb8;
	[tilespmem:$0x18100] =	vst v63  }
0x2a: {  	v3 =	vld [tilespmem:$0x10];
	_ =	sdelay $0x4  }
0x2b: {  	v57 =	vshrl.u32 v3, $0x3  }
0x2c: {  	v4 =	vmul.u32 $0x30, v57  }
0x2d: {  	v3 =	vand.u32 $0x7, v3  }
0x2e: {  	v3 =	vor.u32 v3, v4  }
0x2f: {  	v4 =	vperm.xlane v3, v0;
	_ =	sdelay $0x1  }
0x30: {  	v4 =	vadd.s32 v1, v4;
	_ =	sdelay $0x3  }
0x31: {  	s22 =	simm.s32 $0x3100;
	v3 =	vperm.xlane v3, v2  }
0x32: {  	[tilespmem:s22], [sflag:$0x1] =	stream.indirect_vreg.gather [hbm4b:s3+s2], $0x80, v4, vm0, $0xb8;
	[tilespmem:$0x18100] =	vst v63  }
0x33: {  	s23 =	simm.s32 $0x3900;
	v3 =	vadd.s32 v1, v3  }
0x34: {  	[tilespmem:s23], [sflag:$0x1] =	stream.indirect_vreg.gather [hbm4b:s6+s2], $0x80, v4, vm0, $0xb8;
	[tilespmem:$0x18100] =	vst v63  }
0x35: {  	s24 =	simm.s32 $0x4100  }
0x36: {  	[tilespmem:s24], [sflag:$0x1] =	stream.indirect_vreg.gather [hbm4b:s7+s2], $0x80, v4, vm0, $0xb8;
	[tilespmem:$0x18100] =	vst v63  }
0x37: {  	s25 =	simm.s32 $0x4900  }
0x38: {  	[tilespmem:s25], [sflag:$0x1] =	stream.indirect_vreg.gather [hbm4b:s3+s2], $0x80, v3, vm0, $0xb8;
	[tilespmem:$0x18100] =	vst v63  }
0x39: {  	s26 =	simm.s32 $0x5100  }
0x3a: {  	[tilespmem:s26], [sflag:$0x1] =	stream.indirect_vreg.gather [hbm4b:s6+s2], $0x80, v3, vm0, $0xb8;
	[tilespmem:$0x18100] =	vst v63  }
0x3b: {  	s28 =	simm.s32 $0x5900  }
0x3c: {  	[tilespmem:s28], [sflag:$0x1] =	stream.indirect_vreg.gather [hbm4b:s7+s2], $0x80, v3, vm0, $0xb8;
	[tilespmem:$0x18100] =	vst v63  }
0x3d: {  	v3 =	vld [tilespmem:$0x20];
	_ =	sdelay $0x4  }
0x3e: {  	v58 =	vshrl.u32 v3, $0x3  }
0x3f: {  	v4 =	vmul.u32 $0x30, v58  }
0x40: {  	v3 =	vand.u32 $0x7, v3  }
0x41: {  	v3 =	vor.u32 v3, v4  }
0x42: {  	v4 =	vperm.xlane v3, v0;
	_ =	sdelay $0x1  }
0x43: {  	v4 =	vadd.s32 v1, v4;
	_ =	sdelay $0x3  }
0x44: {  	s22 =	simm.s32 $0x6100;
	v3 =	vperm.xlane v3, v2  }
0x45: {  	[tilespmem:s22], [sflag:$0x1] =	stream.indirect_vreg.gather [hbm4b:s3+s2], $0x80, v4, vm0, $0xb8;
	[tilespmem:$0x18100] =	vst v63  }
0x46: {  	s23 =	simm.s32 $0x6900;
	v3 =	vadd.s32 v1, v3  }
0x47: {  	[tilespmem:s23], [sflag:$0x1] =	stream.indirect_vreg.gather [hbm4b:s6+s2], $0x80, v4, vm0, $0xb8;
	[tilespmem:$0x18100] =	vst v63  }
0x48: {  	s24 =	simm.s32 $0x7100  }
0x49: {  	[tilespmem:s24], [sflag:$0x1] =	stream.indirect_vreg.gather [hbm4b:s7+s2], $0x80, v4, vm0, $0xb8;
	[tilespmem:$0x18100] =	vst v63  }
0x4a: {  	s25 =	simm.s32 $0x7900  }
0x4b: {  	[tilespmem:s25], [sflag:$0x1] =	stream.indirect_vreg.gather [hbm4b:s3+s2], $0x80, v3, vm0, $0xb8;
	[tilespmem:$0x18100] =	vst v63  }
0x4c: {  	s26 =	simm.s32 $0x8100  }
0x4d: {  	[tilespmem:s26], [sflag:$0x1] =	stream.indirect_vreg.gather [hbm4b:s6+s2], $0x80, v3, vm0, $0xb8;
	[tilespmem:$0x18100] =	vst v63  }
0x4e: {  	s28 =	simm.s32 $0x8900  }
0x4f: {  	[tilespmem:s28], [sflag:$0x1] =	stream.indirect_vreg.gather [hbm4b:s7+s2], $0x80, v3, vm0, $0xb8;
	[tilespmem:$0x18100] =	vst v63  }
0x50: {  	v3 =	vld [tilespmem:$0x30];
	_ =	sdelay $0x4  }
0x51: {  	v59 =	vshrl.u32 v3, $0x3  }
0x52: {  	v4 =	vmul.u32 $0x30, v59  }
0x53: {  	v3 =	vand.u32 $0x7, v3  }
0x54: {  	v3 =	vor.u32 v3, v4  }
0x55: {  	v4 =	vperm.xlane v3, v0;
	_ =	sdelay $0x1  }
0x56: {  	v4 =	vadd.s32 v1, v4;
	_ =	sdelay $0x3  }
0x57: {  	s22 =	simm.s32 $0x9100;
	v3 =	vperm.xlane v3, v2  }
0x58: {  	[tilespmem:s22], [sflag:$0x1] =	stream.indirect_vreg.gather [hbm4b:s3+s2], $0x80, v4, vm0, $0xb8;
	[tilespmem:$0x18100] =	vst v63  }
0x59: {  	s23 =	simm.s32 $0x9900;
	v3 =	vadd.s32 v1, v3  }
0x5a: {  	[tilespmem:s23], [sflag:$0x1] =	stream.indirect_vreg.gather [hbm4b:s6+s2], $0x80, v4, vm0, $0xb8;
	[tilespmem:$0x18100] =	vst v63  }
0x5b: {  	s24 =	simm.s32 $0xA100  }
0x5c: {  	[tilespmem:s24], [sflag:$0x1] =	stream.indirect_vreg.gather [hbm4b:s7+s2], $0x80, v4, vm0, $0xb8;
	[tilespmem:$0x18100] =	vst v63  }
0x5d: {  	s25 =	simm.s32 $0xA900  }
0x5e: {  	[tilespmem:s25], [sflag:$0x1] =	stream.indirect_vreg.gather [hbm4b:s3+s2], $0x80, v3, vm0, $0xb8;
	[tilespmem:$0x18100] =	vst v63  }
0x5f: {  	s26 =	simm.s32 $0xB100  }
0x60: {  	[tilespmem:s26], [sflag:$0x1] =	stream.indirect_vreg.gather [hbm4b:s6+s2], $0x80, v3, vm0, $0xb8;
	[tilespmem:$0x18100] =	vst v63  }
0x61: {  	s28 =	simm.s32 $0xB900  }
0x62: {  	[tilespmem:s28], [sflag:$0x1] =	stream.indirect_vreg.gather [hbm4b:s7+s2], $0x80, v3, vm0, $0xb8;
	[tilespmem:$0x18100] =	vst v63  }
0x63: {  	_ =	swait.ge [sflag:s15], $0xC000  }
0x64: {  	[sflag:s15] =	ssyncset.done $0x0  }
0x65: {  	[sflag:s15] =	ssyncadd.s32 $0xFFFF4000  }
0x66: {  	v3 =	vld [tilespmem:$0x80];
	_ =	sdelay $0x4  }
0x67: {  	v60 =	vshrl.u32 v3, $0x3  }
0x68: {  	v4 =	vmul.u32 $0x30, v60  }
0x69: {  	v3 =	vand.u32 $0x7, v3  }
0x6a: {  	v3 =	vor.u32 v3, v4  }
0x6b: {  	v4 =	vperm.xlane v3, v0;
	_ =	sdelay $0x1  }
0x6c: {  	v4 =	vadd.s32 v1, v4;
	_ =	sdelay $0x3  }
0x6d: {  	s22 =	simm.s32 $0xC100;
	v3 =	vperm.xlane v3, v2  }
0x6e: {  	[tilespmem:s22], [sflag:$0x1] =	stream.indirect_vreg.gather [hbm4b:s3+s2], $0x80, v4, vm0, $0xb8;
	[tilespmem:$0x18100] =	vst v63  }
0x6f: {  	s23 =	simm.s32 $0xC900;
	v3 =	vadd.s32 v1, v3  }
0x70: {  	[tilespmem:s23], [sflag:$0x1] =	stream.indirect_vreg.gather [hbm4b:s6+s2], $0x80, v4, vm0, $0xb8;
	[tilespmem:$0x18100] =	vst v63  }
0x71: {  	s24 =	simm.s32 $0xD100  }
0x72: {  	[tilespmem:s24], [sflag:$0x1] =	stream.indirect_vreg.gather [hbm4b:s7+s2], $0x80, v4, vm0, $0xb8;
	[tilespmem:$0x18100] =	vst v63  }
0x73: {  	s25 =	simm.s32 $0xD900  }
0x74: {  	[tilespmem:s25], [sflag:$0x1] =	stream.indirect_vreg.gather [hbm4b:s3+s2], $0x80, v3, vm0, $0xb8;
	[tilespmem:$0x18100] =	vst v63  }
0x75: {  	s26 =	simm.s32 $0xE100  }
0x76: {  	[tilespmem:s26], [sflag:$0x1] =	stream.indirect_vreg.gather [hbm4b:s6+s2], $0x80, v3, vm0, $0xb8;
	[tilespmem:$0x18100] =	vst v63  }
0x77: {  	s28 =	simm.s32 $0xE900  }
0x78: {  	[tilespmem:s28], [sflag:$0x1] =	stream.indirect_vreg.gather [hbm4b:s7+s2], $0x80, v3, vm0, $0xb8;
	[tilespmem:$0x18100] =	vst v63  }
0x79: {  	v3 =	vld [tilespmem:$0x90];
	_ =	sdelay $0x4  }
0x7a: {  	v61 =	vshrl.u32 v3, $0x3  }
0x7b: {  	v4 =	vmul.u32 $0x30, v61  }
0x7c: {  	v3 =	vand.u32 $0x7, v3  }
0x7d: {  	v3 =	vor.u32 v3, v4  }
0x7e: {  	v4 =	vperm.xlane v3, v0;
	_ =	sdelay $0x1  }
0x7f: {  	v4 =	vadd.s32 v1, v4;
	_ =	sdelay $0x3  }
0x80: {  	s22 =	simm.s32 $0xF100;
	v3 =	vperm.xlane v3, v2  }
0x81: {  	[tilespmem:s22], [sflag:$0x1] =	stream.indirect_vreg.gather [hbm4b:s3+s2], $0x80, v4, vm0, $0xb8;
	[tilespmem:$0x18100] =	vst v63  }
0x82: {  	s23 =	simm.s32 $0xF900;
	v3 =	vadd.s32 v1, v3  }
0x83: {  	[tilespmem:s23], [sflag:$0x1] =	stream.indirect_vreg.gather [hbm4b:s6+s2], $0x80, v4, vm0, $0xb8;
	[tilespmem:$0x18100] =	vst v63  }
0x84: {  	s24 =	simm.s32 $0x10100  }
0x85: {  	[tilespmem:s24], [sflag:$0x1] =	stream.indirect_vreg.gather [hbm4b:s7+s2], $0x80, v4, vm0, $0xb8;
	[tilespmem:$0x18100] =	vst v63  }
0x86: {  	s25 =	simm.s32 $0x10900  }
0x87: {  	[tilespmem:s25], [sflag:$0x1] =	stream.indirect_vreg.gather [hbm4b:s3+s2], $0x80, v3, vm0, $0xb8;
	[tilespmem:$0x18100] =	vst v63  }
0x88: {  	s26 =	simm.s32 $0x11100  }
0x89: {  	[tilespmem:s26], [sflag:$0x1] =	stream.indirect_vreg.gather [hbm4b:s6+s2], $0x80, v3, vm0, $0xb8;
	[tilespmem:$0x18100] =	vst v63  }
0x8a: {  	s28 =	simm.s32 $0x11900  }
0x8b: {  	[tilespmem:s28], [sflag:$0x1] =	stream.indirect_vreg.gather [hbm4b:s7+s2], $0x80, v3, vm0, $0xb8;
	[tilespmem:$0x18100] =	vst v63  }
0x8c: {  	v3 =	vld [tilespmem:$0xA0];
	_ =	sdelay $0x4  }
0x8d: {  	v62 =	vshrl.u32 v3, $0x3  }
0x8e: {  	v4 =	vmul.u32 $0x30, v62  }
0x8f: {  	v3 =	vand.u32 $0x7, v3  }
0x90: {  	v3 =	vor.u32 v3, v4  }
0x91: {  	v4 =	vperm.xlane v3, v0;
	_ =	sdelay $0x1  }
0x92: {  	v4 =	vadd.s32 v1, v4;
	_ =	sdelay $0x3  }
0x93: {  	v3 =	vperm.xlane v3, v2  }
0x94: {  	[tilespmem:s29], [sflag:$0x1] =	stream.indirect_vreg.gather [hbm4b:s3+s2], $0x80, v4, vm0, $0xb8;
	[tilespmem:$0x18100] =	vst v63  }
0x95: {  	v3 =	vadd.s32 v1, v3  }
0x96: {  	[tilespmem:s30], [sflag:$0x1] =	stream.indirect_vreg.gather [hbm4b:s6+s2], $0x80, v4, vm0, $0xb8;
	[tilespmem:$0x18100] =	vst v63  }
0x97: {  	_ = 	snop  }
0x98: {  	[tilespmem:s31], [sflag:$0x1] =	stream.indirect_vreg.gather [hbm4b:s7+s2], $0x80, v4, vm0, $0xb8;
	[tilespmem:$0x18100] =	vst v63  }
0x99: {  	_ = 	snop  }
0x9a: {  	[tilespmem:s0], [sflag:$0x1] =	stream.indirect_vreg.gather [hbm4b:s3+s2], $0x80, v3, vm0, $0xb8;
	[tilespmem:$0x18100] =	vst v63  }
0x9b: {  	_ = 	snop  }
0x9c: {  	[tilespmem:s1], [sflag:$0x1] =	stream.indirect_vreg.gather [hbm4b:s6+s2], $0x80, v3, vm0, $0xb8;
	[tilespmem:$0x18100] =	vst v63  }
0x9d: {  	_ = 	snop  }
0x9e: {  	[tilespmem:s11], [sflag:$0x1] =	stream.indirect_vreg.gather [hbm4b:s7+s2], $0x80, v3, vm0, $0xb8;
	[tilespmem:$0x18100] =	vst v63  }
0x9f: {  	v3 =	vld [tilespmem:$0xB0];
	_ =	sdelay $0x4  }
0xa0: {  	v63 =	vshrl.u32 v3, $0x3  }
0xa1: {  	v4 =	vmul.u32 $0x30, v63  }
0xa2: {  	v3 =	vand.u32 $0x7, v3  }
0xa3: {  	v3 =	vor.u32 v3, v4  }
0xa4: {  	v4 =	vperm.xlane v3, v0;
	_ =	sdelay $0x1  }
0xa5: {  	v4 =	vadd.s32 v1, v4;
	_ =	sdelay $0x3  }
0xa6: {  	v3 =	vperm.xlane v3, v2  }
0xa7: {  	[tilespmem:s13], [sflag:$0x1] =	stream.indirect_vreg.gather [hbm4b:s3+s2], $0x80, v4, vm0, $0xb8;
	[tilespmem:$0x18100] =	vst v63  }
0xa8: {  	v3 =	vadd.s32 v1, v3  }
0xa9: {  	[tilespmem:s14], [sflag:$0x1] =	stream.indirect_vreg.gather [hbm4b:s6+s2], $0x80, v4, vm0, $0xb8;
	[tilespmem:$0x18100] =	vst v63  }
0xaa: {  	_ = 	snop  }
0xab: {  	[tilespmem:s16], [sflag:$0x1] =	stream.indirect_vreg.gather [hbm4b:s7+s2], $0x80, v4, vm0, $0xb8;
	[tilespmem:$0x18100] =	vst v63  }
0xac: {  	_ = 	snop  }
0xad: {  	[tilespmem:s17], [sflag:$0x1] =	stream.indirect_vreg.gather [hbm4b:s3+s2], $0x80, v3, vm0, $0xb8;
	[tilespmem:$0x18100] =	vst v63  }
0xae: {  	_ = 	snop  }
0xaf: {  	[tilespmem:s18], [sflag:$0x1] =	stream.indirect_vreg.gather [hbm4b:s6+s2], $0x80, v3, vm0, $0xb8;
	[tilespmem:$0x18100] =	vst v63  }
0xb0: {  	_ = 	snop  }
0xb1: {  	[tilespmem:s19], [sflag:$0x1] =	stream.indirect_vreg.gather [hbm4b:s7+s2], $0x80, v3, vm0, $0xb8;
	[tilespmem:$0x18100] =	vst v63  }
0xb2: {  	_ =	swait.ge [sflag:s15], $0xC000  }
0xb3: {  	[sflag:s15] =	ssyncset.done $0x0  }
0xb4: {  	s21 =	simm.s32 $0x0;
	[sflag:s15] =	ssyncadd.s32 $0xFFFF4000  }
.LBB2_2:
0xb5: {  	s22 =	sshrl.u32 s21, $0x3  }
0xb6: {  	s23 =	sshll.u32 s21, $0x7;
	s22 =	smul.u32 $0x1800, s22  }
0xb7: {  	s24 =	simm.s32 $0x0;
	s23 =	sand.u32 $0x380, s23  }
0xb8: {  	s26 =	sand.u32 $0x1C00, s24;
	s22 =	sor.u32 s23, s22  }
0xb9: {  	s24 =	sand.u32 $0x70, s24;
	s23 =	sadd.s32 s22, s26  }
0xba: {  	s23 =	sor.u32 s24, s23  }
0xbb: {  	v3 =	vld [tilespmem:s23+$0xC100]  }
0xbc: {  	v4 =	vld [tilespmem:s23+$0x100];
	_ =	sdelay $0x2  }
0xbd: {  	s24 =	simm.s32 $0x80  }
0xbe: {  	s25 =	simm.s32 $0x10;
	s28 =	sand.u32 $0x1C00, s24  }
0xbf: {  	s26 =	sand.u32 $0x70, s25;
	s25 =	simm.s32 $0x20;
	s28 =	sadd.s32 s22, s28;
	v3 =	vadd.f32 v3, v4  }
.LBB2_3:
0xc0: {  	p0 =	sne.s32 s25, $0x2F0;
	s26 =	sor.u32 s26, s28  }
0xc1: {  	v4 =	vld [tilespmem:s26+$0xC100];
	[tilespmem:s23+$0x100] =	vst v3;
	s23 =	smov.u32 s26  }
0xc2: {  	v3 =	vld [tilespmem:s23+$0x100]  }
.Ltmp0:
0xc3: {  	(pc) =	sbr.rel @p0 .LBB2_3-.Ltmp0, $4  }
0xc4: {  	_ = 	snop  }
0xc5: {  	s24 =	sadd.s32 $0x80, s24  }
0xc6: {  	s28 =	sand.u32 $0x1C00, s24  }
0xc7: {  	s26 =	sand.u32 $0x70, s25;
	s25 =	sadd.s32 $0x10, s25;
	s28 =	sadd.s32 s22, s28;
	v3 =	vadd.f32 v4, v3  }
0xc8: {  	s22 =	sor.u32 s26, s28  }
0xc9: {  	v4 =	vld [tilespmem:s22+$0xC100];
	[tilespmem:s23+$0x100] =	vst v3  }
0xca: {  	v3 =	vld [tilespmem:s22+$0x100]  }
0xcb: {  	s21 =	sadd.s32 $0x1, s21  }
0xcc: {  	p0 =	sne.s32 s21, $0x40  }
.Ltmp1:
0xcd: {  	_ = 	snop;
	(pc) =	sbr.rel @p0 .LBB2_2-.Ltmp1, $3  }
0xce: {  	_ = 	snop  }
0xcf: {  	v3 =	vadd.f32 v4, v3;
	_ =	sdelay $0x1  }
0xd0: {  	[tilespmem:s22+$0x100] =	vst v3  }
0xd1: {  	s20 =	sadd.s32 $0x1, s20  }
0xd2: {  	p0 =	sne.s32 s20, s9  }
.Ltmp2:
0xd3: {  	_ = 	snop;
	(pc) =	sbr.rel @p0 .LBB2_1-.Ltmp2, $4  }
0xd4: {  	[hbm4b:s8+s2] =	stream.linear.scatter [tilespmem:s12], [sflag:$0x2], $0xC000, $0x38;
	[tilespmem:$0x18100] =	vst v63  }
0xd5: {  	_ =	swait.ge [sflag:s10], $0xC000  }
0xd6: {  	[sflag:s10] =	ssyncset.done $0x0  }
0xd7: {  	[sflag:s10] =	ssyncadd.s32 $0xFFFF4000  }
0xd8: {  	_ =	sfence.sel $0x180000  }
0xd9: {  	[bflag:$0x0] =	sbarrier.arrive $0xFFFF  }
0xda: {  	_ =	strace $0x9000004A  }
0xdb: {  	s0 =	stileid.u32;
	[bflag:$0x2] =	sbarrier.arrive $0xFFFF  }
0xdc: {  	p0 =	sne.s32 s0, $0x0;
	s0 =	rddreg [dreg:$0x2]  }
0xdd: {  	s0 =	sadd.s32 @!p0 $0x100000, s0  }
0xde: {  	[sflag:s0] =	ssyncadd.tile.s32 @!p0 $0x1;
	_ =	shalt  }
.Lfunc_end2:
_tile_overlayer_lowered:
.L_overlay_start_2:
0xdf: {  	(tag) =	ssettag $0x2  }
0xe0: {  	s0 =	rddreg [dreg:$0x0];
	s2 =	stileid.u32  }
0xe1: {  	s1 =	rddreg [dreg:$0x1];
	p0 =	sne.s32 s2, $0x0  }
0xe2: {  	s3 =	rddreg [dreg:$0x2];
	[bflag:$0x3] =	sbarrier.arrive $0xFFFF;
	s2 =	simm.s32 @!p0 $0x1C02  }
0xe3: {  	[timem:s3], [sflag:s2] =	dma.local @!p0 [hbm:s0], s1  }
0xe4: {  	s0 =	simm.s32 @!p0 $0x2  }
0xe5: {  	_ =	swait.ge @!p0 [sflag:s0], s1  }
0xe6: {  	s1 =	ssub.s32 @!p0 $0x0, s1;
	[sflag:s0] =	ssyncset.done @!p0 $0x0  }
0xe7: {  	[sflag:s0] =	ssyncadd.s32 @!p0 s1  }
0xe8: {  	[bflag:$0x3] =	sbarrier.arrive $0xFFFF  }
0xe9: {  	_ =	shalt  }

</sc_bundles>
